<compile_context>
chip_gen: v7x
topology: tpu7x:2x2x1
jax: 0.10.2.dev20260603
libtpu: 0.0.44.dev20260713+nightly
codegen_flags: <defaults>
</compile_context>

<pallas_src>
import functools

import jax
import jax.numpy as jnp
from jax import lax
from jax.experimental import pallas as pl
from jax.experimental.pallas import tpu as pltpu
from jax.experimental.pallas import tpu_sc as plsc

_LANES = 16
_CHUNK = 128
_NBUF = 2


def _emb_body(n_chunks, n_per_w, D, scale,
              idx_hbm, table_hbm, out_hbm, idx_v, gbufs, sbufs,
              isems, gsems, ssems):
    wid = lax.axis_index("s") * 2 + lax.axis_index("c")
    chunk_base = wid * n_chunks
    row_base = wid * n_per_w
    n_rounds = n_chunks // _NBUF
    scale_v = jnp.full((_LANES,), scale, dtype=jnp.float32)

    def start_idx(g, b):
        pltpu.async_copy(idx_hbm.at[chunk_base + g], idx_v[b], isems[b])

    def wait_idx(g, b):
        pltpu.make_async_copy(
            idx_hbm.at[chunk_base + g], idx_v[b], isems[b]).wait()

    def start_gather(g, b):
        pltpu.async_copy(table_hbm.at[idx_v[b]], gbufs[b], gsems[b])

    def wait_gather(g, b):
        pltpu.make_async_copy(
            table_hbm.at[idx_v[b]], gbufs[b], gsems[b]).wait()

    def out_slice(g):
        return out_hbm.at[pl.ds(row_base + g * _CHUNK, _CHUNK)]

    def start_scatter(g, b):
        pltpu.async_copy(sbufs[b], out_slice(g), ssems[b])

    def wait_scatter(g, b):
        pltpu.make_async_copy(sbufs[b], out_slice(g), ssems[b]).wait()

    def scale_chunk(b):
        @plsc.parallel_loop(0, _CHUNK, unroll=8)
        def _(r):
            for c in range(D // _LANES):
                sbufs[b][r, pl.ds(c * _LANES, _LANES)] = (
                    gbufs[b][r, pl.ds(c * _LANES, _LANES)] * scale_v)

    for b in range(_NBUF):
        start_idx(b, b)
        wait_idx(b, b)
        start_gather(b, b)

    def round_body(t, carry):
        for b in range(_NBUF):
            g = t * _NBUF + b
            wait_gather(g, b)

            @pl.when(t < n_rounds - 1)
            def _():
                start_idx(g + _NBUF, b)

            @pl.when(t > 0)
            def _():
                wait_scatter(g - _NBUF, b)

            scale_chunk(b)

            @pl.when(t < n_rounds - 1)
            def _():
                wait_idx(g + _NBUF, b)
                start_gather(g + _NBUF, b)

            start_scatter(g, b)
        return carry

    lax.fori_loop(0, n_rounds, round_body, 0)
    for b in range(_NBUF):
        wait_scatter((n_rounds - 1) * _NBUF + b, b)


def kernel(input_x, table):
    B0, S = input_x.shape
    V, D = table.shape
    B = B0 * S
    n_workers = 32
    n_per_w = B // n_workers
    n_chunks = n_per_w // _CHUNK
    scale = float(D) ** 0.5

    idx2d = input_x.reshape(B // _CHUNK, _CHUNK).astype(jnp.int32)
    table_pad = jnp.pad(table, ((0, 0), (0, 128 - D)))

    mesh = plsc.VectorSubcoreMesh(core_axis_name="c", subcore_axis_name="s")
    emb = pl.kernel(
        functools.partial(_emb_body, n_chunks, n_per_w, D, scale),
        mesh=mesh,
        out_type=jax.ShapeDtypeStruct((B, D), jnp.float32),
        scratch_types=[
            [pltpu.VMEM((_CHUNK,), jnp.int32) for _ in range(_NBUF)],
            [pltpu.VMEM((_CHUNK, 128), jnp.float32) for _ in range(_NBUF)],
            [pltpu.VMEM((_CHUNK, D), jnp.float32) for _ in range(_NBUF)],
            [pltpu.SemaphoreType.DMA for _ in range(_NBUF)],
            [pltpu.SemaphoreType.DMA for _ in range(_NBUF)],
            [pltpu.SemaphoreType.DMA for _ in range(_NBUF)],
        ],
        compiler_params=pltpu.CompilerParams(use_tc_tiling_on_sc=True),
    )
    out = emb(idx2d, table_pad)
    return out.reshape(B0, S, D)

# --- scband reference (transcript-rebuilt; emitter-appended) ---
"""Pipeline reference for scband-embeddings-65893388255977 (READ-ONLY COPY).

The authoritative reference and input builder live on the scoring server;
editing this copy changes nothing except your own understanding.
"""

import jax, jax.numpy as jnp
import numpy as np
import math

N_VOCAB = 1000000
N_HIDDEN = 64

def setup_inputs(seed: int = 0) -> dict:
    key = jax.random.key(seed)
    k1, k2 = jax.random.split(key)
    input_x = jax.random.randint(k1, (4096, 200), 0, N_VOCAB, dtype=jnp.int64 if jax.config.jax_enable_x64 else jnp.int32)
    table = jax.random.normal(k2, (N_VOCAB, N_HIDDEN), dtype=jnp.float32)
    return {"input_x": input_x, "table": table}

def reference(input_x, table):
    # nn.Embedding lookup followed by sqrt(d) scaling
    emb = jnp.take(table, input_x, axis=0)
    return emb * math.sqrt(N_HIDDEN)

if __name__ == "__main__":
    import jax
    _d = setup_inputs()
    print(jax.jit(kernel)(*tuple(_d.values())))

</pallas_src>

<mosaic_0001>
#map = affine_map<(d0, d1) -> (0, 0)>
module attributes {stable_mosaic.version = 14 : i64} {
  func.func @_emb_body(%arg0: i32, %arg1: i32, %arg2: memref<6400x128xi32, #tpu.memory_space<hbm>>, %arg3: memref<1000000x128xf32, #tpu.memory_space<hbm>>, %arg4: memref<819200x64xf32, #tpu.memory_space<hbm>>, %arg5: memref<128xi32, #tpu.memory_space<vmem>>, %arg6: memref<128xi32, #tpu.memory_space<vmem>>, %arg7: memref<128x128xf32, #tpu.memory_space<vmem>>, %arg8: memref<128x128xf32, #tpu.memory_space<vmem>>, %arg9: memref<128x64xf32, #tpu.memory_space<vmem>>, %arg10: memref<128x64xf32, #tpu.memory_space<vmem>>, %arg11: memref<!tpu.dma_semaphore, #tpu.memory_space<semaphore_mem>>, %arg12: memref<!tpu.dma_semaphore, #tpu.memory_space<semaphore_mem>>, %arg13: memref<!tpu.dma_semaphore, #tpu.memory_space<semaphore_mem>>, %arg14: memref<!tpu.dma_semaphore, #tpu.memory_space<semaphore_mem>>, %arg15: memref<!tpu.dma_semaphore, #tpu.memory_space<semaphore_mem>>, %arg16: memref<!tpu.dma_semaphore, #tpu.memory_space<semaphore_mem>>) attributes {dimension_semantics = [#tpu.dimension_semantics<core_parallel>, #tpu.dimension_semantics<subcore_parallel>], iteration_bounds = array<i64: 2, 16>, scalar_prefetch = 0 : i64, scratch_operands = 12 : i64, tpu.core_type = #tpu.core_type<sc_vector_subcore>, window_params = [{transform_indices = #map}, {transform_indices = #map}, {transform_indices = #map}]} {
    %mul3A = arith.constant 2 : i32
    %mul3A_0 = arith.muli %arg1, %mul3A : i32
    %add3A = arith.addi %mul3A_0, %arg0 : i32
    %mul3A_1 = arith.constant 200 : i32
    %mul3A_2 = arith.muli %add3A, %mul3A_1 : i32
    %mul3A_3 = arith.constant 25600 : i32
    %mul3A_4 = arith.muli %add3A, %mul3A_3 : i32
    %broadcast_in_dim3A = arith.constant 8.000000e+00 : f32
    %broadcast_in_dim3A_5 = vector.broadcast %broadcast_in_dim3A : f32 to vector<16xf32>
    %add3A_6 = arith.constant 0 : i32
    %add3A_7 = arith.addi %mul3A_2, %add3A_6 : i32
    %dma_start3A = arith.constant 0 : i32
    %dma_start3A_8 = tpu.memref_slice %arg2[%add3A_7, %dma_start3A] : memref<6400x128xi32, #tpu.memory_space<hbm>> -> memref<1x128xi32, #tpu.memory_space<hbm>>
    %dma_start3A_9 = tpu.memref_squeeze %dma_start3A_8 : memref<1x128xi32, #tpu.memory_space<hbm>> -> memref<128xi32, #tpu.memory_space<hbm>>
    %dma_start3A_10 = arith.constant 0 : i32
    %dma_start3A_11 = tpu.memref_slice %arg2[%add3A_7, %dma_start3A_10] : memref<6400x128xi32, #tpu.memory_space<hbm>> -> memref<1x128xi32, #tpu.memory_space<hbm>>
    %dma_start3A_12 = tpu.memref_squeeze %dma_start3A_11 : memref<1x128xi32, #tpu.memory_space<hbm>> -> memref<128xi32, #tpu.memory_space<hbm>>
    tpu.enqueue_dma source(%dma_start3A_12 : memref<128xi32, #tpu.memory_space<hbm>>) target(%arg5 : memref<128xi32, #tpu.memory_space<vmem>>) target_semaphore(%arg11 : memref<!tpu.dma_semaphore, #tpu.memory_space<semaphore_mem>>)
    %add3A_13 = arith.constant 0 : i32
    %add3A_14 = arith.addi %mul3A_2, %add3A_13 : i32
    %dma_wait3A = arith.constant 0 : i32
    %dma_wait3A_15 = tpu.memref_slice %arg2[%add3A_14, %dma_wait3A] : memref<6400x128xi32, #tpu.memory_space<hbm>> -> memref<1x128xi32, #tpu.memory_space<hbm>>
    %dma_wait3A_16 = tpu.memref_squeeze %dma_wait3A_15 : memref<1x128xi32, #tpu.memory_space<hbm>> -> memref<128xi32, #tpu.memory_space<hbm>>
    %dma_wait3A_17 = arith.constant 0 : i32
    %dma_wait3A_18 = tpu.memref_slice %arg2[%add3A_14, %dma_wait3A_17] : memref<6400x128xi32, #tpu.memory_space<hbm>> -> memref<1x128xi32, #tpu.memory_space<hbm>>
    %dma_wait3A_19 = tpu.memref_squeeze %dma_wait3A_18 : memref<1x128xi32, #tpu.memory_space<hbm>> -> memref<128xi32, #tpu.memory_space<hbm>>
    tpu.wait_dma2 semaphore(%arg11 : memref<!tpu.dma_semaphore, #tpu.memory_space<semaphore_mem>>) src(%dma_wait3A_19 : memref<128xi32, #tpu.memory_space<hbm>>) dst(%arg5 : memref<128xi32, #tpu.memory_space<vmem>>)
    %dma_start3A_20 = arith.constant 0 : i32
    %dma_start3A_21 = arith.constant 0 : i32
    %dma_start3A_22 = tpu.memref_slice %arg3[%dma_start3A_20, %dma_start3A_21] : memref<1000000x128xf32, #tpu.memory_space<hbm>> -> memref<1000000x128xf32, #tpu.memory_space<hbm>>
    tpu.enqueue_indirect_dma source(%dma_start3A_22 : memref<1000000x128xf32, #tpu.memory_space<hbm>>) target(%arg7 : memref<128x128xf32, #tpu.memory_space<vmem>>) offsets(%arg5 : memref<128xi32, #tpu.memory_space<vmem>>) semaphore(%arg13 : memref<!tpu.dma_semaphore, #tpu.memory_space<semaphore_mem>>)
    %add3A_23 = arith.constant 1 : i32
    %add3A_24 = arith.addi %mul3A_2, %add3A_23 : i32
    %dma_start3A_25 = arith.constant 0 : i32
    %dma_start3A_26 = tpu.memref_slice %arg2[%add3A_24, %dma_start3A_25] : memref<6400x128xi32, #tpu.memory_space<hbm>> -> memref<1x128xi32, #tpu.memory_space<hbm>>
    %dma_start3A_27 = tpu.memref_squeeze %dma_start3A_26 : memref<1x128xi32, #tpu.memory_space<hbm>> -> memref<128xi32, #tpu.memory_space<hbm>>
    %dma_start3A_28 = arith.constant 0 : i32
    %dma_start3A_29 = tpu.memref_slice %arg2[%add3A_24, %dma_start3A_28] : memref<6400x128xi32, #tpu.memory_space<hbm>> -> memref<1x128xi32, #tpu.memory_space<hbm>>
    %dma_start3A_30 = tpu.memref_squeeze %dma_start3A_29 : memref<1x128xi32, #tpu.memory_space<hbm>> -> memref<128xi32, #tpu.memory_space<hbm>>
    tpu.enqueue_dma source(%dma_start3A_30 : memref<128xi32, #tpu.memory_space<hbm>>) target(%arg6 : memref<128xi32, #tpu.memory_space<vmem>>) target_semaphore(%arg12 : memref<!tpu.dma_semaphore, #tpu.memory_space<semaphore_mem>>)
    %add3A_31 = arith.constant 1 : i32
    %add3A_32 = arith.addi %mul3A_2, %add3A_31 : i32
    %dma_wait3A_33 = arith.constant 0 : i32
    %dma_wait3A_34 = tpu.memref_slice %arg2[%add3A_32, %dma_wait3A_33] : memref<6400x128xi32, #tpu.memory_space<hbm>> -> memref<1x128xi32, #tpu.memory_space<hbm>>
    %dma_wait3A_35 = tpu.memref_squeeze %dma_wait3A_34 : memref<1x128xi32, #tpu.memory_space<hbm>> -> memref<128xi32, #tpu.memory_space<hbm>>
    %dma_wait3A_36 = arith.constant 0 : i32
    %dma_wait3A_37 = tpu.memref_slice %arg2[%add3A_32, %dma_wait3A_36] : memref<6400x128xi32, #tpu.memory_space<hbm>> -> memref<1x128xi32, #tpu.memory_space<hbm>>
    %dma_wait3A_38 = tpu.memref_squeeze %dma_wait3A_37 : memref<1x128xi32, #tpu.memory_space<hbm>> -> memref<128xi32, #tpu.memory_space<hbm>>
    tpu.wait_dma2 semaphore(%arg12 : memref<!tpu.dma_semaphore, #tpu.memory_space<semaphore_mem>>) src(%dma_wait3A_38 : memref<128xi32, #tpu.memory_space<hbm>>) dst(%arg6 : memref<128xi32, #tpu.memory_space<vmem>>)
    %dma_start3A_39 = arith.constant 0 : i32
    %dma_start3A_40 = arith.constant 0 : i32
    %dma_start3A_41 = tpu.memref_slice %arg3[%dma_start3A_39, %dma_start3A_40] : memref<1000000x128xf32, #tpu.memory_space<hbm>> -> memref<1000000x128xf32, #tpu.memory_space<hbm>>
    tpu.enqueue_indirect_dma source(%dma_start3A_41 : memref<1000000x128xf32, #tpu.memory_space<hbm>>) target(%arg8 : memref<128x128xf32, #tpu.memory_space<vmem>>) offsets(%arg6 : memref<128xi32, #tpu.memory_space<vmem>>) semaphore(%arg14 : memref<!tpu.dma_semaphore, #tpu.memory_space<semaphore_mem>>)
    %scan3A = arith.constant 0 : i32
    %scan3A_42 = arith.constant 0 : i32
    %scan3A_43 = arith.constant 100 : i32
    %scan3A_44 = arith.addi %scan3A_42, %scan3A_43 : i32
    %scan3A_45 = arith.constant 1 : i32
    scf.for %scan3A_59 = %scan3A_42 to %scan3A_44 step %scan3A_45  : i32 {
      %mul3A_60 = arith.constant 2 : i32
      %mul3A_61 = arith.muli %scan3A_59, %mul3A_60 : i32
      %add3A_62 = arith.constant 0 : i32
      %add3A_63 = arith.addi %mul3A_61, %add3A_62 : i32
      %dma_wait3A_64 = arith.constant 0 : i32
      %dma_wait3A_65 = arith.constant 0 : i32
      %dma_wait3A_66 = tpu.memref_slice %arg3[%dma_wait3A_64, %dma_wait3A_65] : memref<1000000x128xf32, #tpu.memory_space<hbm>> -> memref<1000000x128xf32, #tpu.memory_space<hbm>>
      tpu.wait_indirect_dma semaphore(%arg13 : memref<!tpu.dma_semaphore, #tpu.memory_space<semaphore_mem>>) src(%dma_wait3A_66 : memref<1000000x128xf32, #tpu.memory_space<hbm>>) dst(%arg7 : memref<128x128xf32, #tpu.memory_space<vmem>>)
      %lt3A = arith.constant 99 : i32
      %lt3A_67 = arith.cmpi slt, %scan3A_59, %lt3A : i32
      %convert_element_type3A = arith.extui %lt3A_67 : i1 to i32
      %cond3A = arith.constant 0 : i32
      %cond3A_68 = arith.cmpi ne, %convert_element_type3A, %cond3A : i32
      scf.if %cond3A_68 {
        %add3A_119 = arith.constant 2 : i32
        %add3A_120 = arith.addi %add3A_63, %add3A_119 : i32
        %add3A_121 = arith.addi %mul3A_2, %add3A_120 : i32
        %dma_start3A_122 = arith.constant 0 : i32
        %dma_start3A_123 = tpu.memref_slice %arg2[%add3A_121, %dma_start3A_122] : memref<6400x128xi32, #tpu.memory_space<hbm>> -> memref<1x128xi32, #tpu.memory_space<hbm>>
        %dma_start3A_124 = tpu.memref_squeeze %dma_start3A_123 : memref<1x128xi32, #tpu.memory_space<hbm>> -> memref<128xi32, #tpu.memory_space<hbm>>
        %dma_start3A_125 = arith.constant 0 : i32
        %dma_start3A_126 = tpu.memref_slice %arg2[%add3A_121, %dma_start3A_125] : memref<6400x128xi32, #tpu.memory_space<hbm>> -> memref<1x128xi32, #tpu.memory_space<hbm>>
        %dma_start3A_127 = tpu.memref_squeeze %dma_start3A_126 : memref<1x128xi32, #tpu.memory_space<hbm>> -> memref<128xi32, #tpu.memory_space<hbm>>
        tpu.enqueue_dma source(%dma_start3A_127 : memref<128xi32, #tpu.memory_space<hbm>>) target(%arg5 : memref<128xi32, #tpu.memory_space<vmem>>) target_semaphore(%arg11 : memref<!tpu.dma_semaphore, #tpu.memory_space<semaphore_mem>>)
      } else {
      }
      %gt3A = arith.constant 0 : i32
      %gt3A_69 = arith.cmpi sgt, %scan3A_59, %gt3A : i32
      %convert_element_type3A_70 = arith.extui %gt3A_69 : i1 to i32
      %cond3A_71 = arith.constant 0 : i32
      %cond3A_72 = arith.cmpi ne, %convert_element_type3A_70, %cond3A_71 : i32
      scf.if %cond3A_72 {
        %sub3A = arith.constant 2 : i32
        %sub3A_119 = arith.subi %add3A_63, %sub3A : i32
        %mul3A_120 = arith.constant 128 : i32
        %mul3A_121 = arith.muli %sub3A_119, %mul3A_120 : i32
        %add3A_122 = arith.addi %mul3A_4, %mul3A_121 : i32
        %dma_wait3A_123 = arith.constant 0 : i32
        %dma_wait3A_124 = tpu.memref_slice %arg4[%add3A_122, %dma_wait3A_123] : memref<819200x64xf32, #tpu.memory_space<hbm>> -> memref<128x64xf32, #tpu.memory_space<hbm>>
        %dma_wait3A_125 = arith.constant 0 : i32
        %dma_wait3A_126 = tpu.memref_slice %arg4[%add3A_122, %dma_wait3A_125] : memref<819200x64xf32, #tpu.memory_space<hbm>> -> memref<128x64xf32, #tpu.memory_space<hbm>>
        tpu.wait_dma2 semaphore(%arg15 : memref<!tpu.dma_semaphore, #tpu.memory_space<semaphore_mem>>) src(%arg9 : memref<128x64xf32, #tpu.memory_space<vmem>>) dst(%dma_wait3A_126 : memref<128x64xf32, #tpu.memory_space<hbm>>)
      } else {
      }
      %parallel_loop3A = arith.constant 0 : i32
      %parallel_loop3A_73 = arith.constant 128 : i32
      %parallel_loop3A_74 = arith.constant 1 : i32
      scf.for %parallel_loop3A_119 = %parallel_loop3A to %parallel_loop3A_73 step %parallel_loop3A_74  : i32 {
        %parallel_loop3A_120 = arith.index_cast %parallel_loop3A_119 : i32 to index
        %parallel_loop3A_121 = arith.constant 0 : index
        %parallel_loop3A_122 = tpu.vector_load %arg7[%parallel_loop3A_120, %parallel_loop3A_121] {strides = array<i32>} : memref<128x128xf32, #tpu.memory_space<vmem>>, vector<1x16xf32>,
        %parallel_loop3A_123 = vector.shape_cast %parallel_loop3A_122 : vector<1x16xf32> to vector<16xf32>
        %parallel_loop3A_124 = arith.mulf %parallel_loop3A_123, %broadcast_in_dim3A_5 : vector<16xf32>
        %parallel_loop3A_125 = arith.index_cast %parallel_loop3A_119 : i32 to index
        %parallel_loop3A_126 = arith.constant 0 : index
        %parallel_loop3A_127 = tpu.vector_load %arg9[%parallel_loop3A_125, %parallel_loop3A_126] {strides = array<i32>} : memref<128x64xf32, #tpu.memory_space<vmem>>, vector<1x16xf32>,
        %parallel_loop3A_128 = vector.shape_cast %parallel_loop3A_127 : vector<1x16xf32> to vector<16xf32>
        %parallel_loop3A_129 = vector.shape_cast %parallel_loop3A_124 : vector<16xf32> to vector<1x16xf32>
        tpu.vector_store %arg9[%parallel_loop3A_125, %parallel_loop3A_126], %parallel_loop3A_129 {strides = array<i32>} : memref<128x64xf32, #tpu.memory_space<vmem>>, vector<1x16xf32>,
        %parallel_loop3A_130 = arith.index_cast %parallel_loop3A_119 : i32 to index
        %parallel_loop3A_131 = arith.constant 16 : index
        %parallel_loop3A_132 = tpu.vector_load %arg7[%parallel_loop3A_130, %parallel_loop3A_131] {strides = array<i32>} : memref<128x128xf32, #tpu.memory_space<vmem>>, vector<1x16xf32>,
        %parallel_loop3A_133 = vector.shape_cast %parallel_loop3A_132 : vector<1x16xf32> to vector<16xf32>
        %parallel_loop3A_134 = arith.mulf %parallel_loop3A_133, %broadcast_in_dim3A_5 : vector<16xf32>
        %parallel_loop3A_135 = arith.index_cast %parallel_loop3A_119 : i32 to index
        %parallel_loop3A_136 = arith.constant 16 : index
        %parallel_loop3A_137 = tpu.vector_load %arg9[%parallel_loop3A_135, %parallel_loop3A_136] {strides = array<i32>} : memref<128x64xf32, #tpu.memory_space<vmem>>, vector<1x16xf32>,
        %parallel_loop3A_138 = vector.shape_cast %parallel_loop3A_137 : vector<1x16xf32> to vector<16xf32>
        %parallel_loop3A_139 = vector.shape_cast %parallel_loop3A_134 : vector<16xf32> to vector<1x16xf32>
        tpu.vector_store %arg9[%parallel_loop3A_135, %parallel_loop3A_136], %parallel_loop3A_139 {strides = array<i32>} : memref<128x64xf32, #tpu.memory_space<vmem>>, vector<1x16xf32>,
        %parallel_loop3A_140 = arith.index_cast %parallel_loop3A_119 : i32 to index
        %parallel_loop3A_141 = arith.constant 32 : index
        %parallel_loop3A_142 = tpu.vector_load %arg7[%parallel_loop3A_140, %parallel_loop3A_141] {strides = array<i32>} : memref<128x128xf32, #tpu.memory_space<vmem>>, vector<1x16xf32>,
        %parallel_loop3A_143 = vector.shape_cast %parallel_loop3A_142 : vector<1x16xf32> to vector<16xf32>
        %parallel_loop3A_144 = arith.mulf %parallel_loop3A_143, %broadcast_in_dim3A_5 : vector<16xf32>
        %parallel_loop3A_145 = arith.index_cast %parallel_loop3A_119 : i32 to index
        %parallel_loop3A_146 = arith.constant 32 : index
        %parallel_loop3A_147 = tpu.vector_load %arg9[%parallel_loop3A_145, %parallel_loop3A_146] {strides = array<i32>} : memref<128x64xf32, #tpu.memory_space<vmem>>, vector<1x16xf32>,
        %parallel_loop3A_148 = vector.shape_cast %parallel_loop3A_147 : vector<1x16xf32> to vector<16xf32>
        %parallel_loop3A_149 = vector.shape_cast %parallel_loop3A_144 : vector<16xf32> to vector<1x16xf32>
        tpu.vector_store %arg9[%parallel_loop3A_145, %parallel_loop3A_146], %parallel_loop3A_149 {strides = array<i32>} : memref<128x64xf32, #tpu.memory_space<vmem>>, vector<1x16xf32>,
        %parallel_loop3A_150 = arith.index_cast %parallel_loop3A_119 : i32 to index
        %parallel_loop3A_151 = arith.constant 48 : index
        %parallel_loop3A_152 = tpu.vector_load %arg7[%parallel_loop3A_150, %parallel_loop3A_151] {strides = array<i32>} : memref<128x128xf32, #tpu.memory_space<vmem>>, vector<1x16xf32>,
        %parallel_loop3A_153 = vector.shape_cast %parallel_loop3A_152 : vector<1x16xf32> to vector<16xf32>
        %parallel_loop3A_154 = arith.mulf %parallel_loop3A_153, %broadcast_in_dim3A_5 : vector<16xf32>
        %parallel_loop3A_155 = arith.index_cast %parallel_loop3A_119 : i32 to index
        %parallel_loop3A_156 = arith.constant 48 : index
        %parallel_loop3A_157 = tpu.vector_load %arg9[%parallel_loop3A_155, %parallel_loop3A_156] {strides = array<i32>} : memref<128x64xf32, #tpu.memory_space<vmem>>, vector<1x16xf32>,
        %parallel_loop3A_158 = vector.shape_cast %parallel_loop3A_157 : vector<1x16xf32> to vector<16xf32>
        %parallel_loop3A_159 = vector.shape_cast %parallel_loop3A_154 : vector<16xf32> to vector<1x16xf32>
        tpu.vector_store %arg9[%parallel_loop3A_155, %parallel_loop3A_156], %parallel_loop3A_159 {strides = array<i32>} : memref<128x64xf32, #tpu.memory_space<vmem>>, vector<1x16xf32>,
      } {sc.loop_unroll_factor = 8 : i64, sc.parallel_access}
      %lt3A_75 = arith.constant 99 : i32
      %lt3A_76 = arith.cmpi slt, %scan3A_59, %lt3A_75 : i32
      %convert_element_type3A_77 = arith.extui %lt3A_76 : i1 to i32
      %cond3A_78 = arith.constant 0 : i32
      %cond3A_79 = arith.cmpi ne, %convert_element_type3A_77, %cond3A_78 : i32
      scf.if %cond3A_79 {
        %add3A_119 = arith.constant 2 : i32
        %add3A_120 = arith.addi %add3A_63, %add3A_119 : i32
        %add3A_121 = arith.addi %mul3A_2, %add3A_120 : i32
        %dma_wait3A_122 = arith.constant 0 : i32
        %dma_wait3A_123 = tpu.memref_slice %arg2[%add3A_121, %dma_wait3A_122] : memref<6400x128xi32, #tpu.memory_space<hbm>> -> memref<1x128xi32, #tpu.memory_space<hbm>>
        %dma_wait3A_124 = tpu.memref_squeeze %dma_wait3A_123 : memref<1x128xi32, #tpu.memory_space<hbm>> -> memref<128xi32, #tpu.memory_space<hbm>>
        %dma_wait3A_125 = arith.constant 0 : i32
        %dma_wait3A_126 = tpu.memref_slice %arg2[%add3A_121, %dma_wait3A_125] : memref<6400x128xi32, #tpu.memory_space<hbm>> -> memref<1x128xi32, #tpu.memory_space<hbm>>
        %dma_wait3A_127 = tpu.memref_squeeze %dma_wait3A_126 : memref<1x128xi32, #tpu.memory_space<hbm>> -> memref<128xi32, #tpu.memory_space<hbm>>
        tpu.wait_dma2 semaphore(%arg11 : memref<!tpu.dma_semaphore, #tpu.memory_space<semaphore_mem>>) src(%dma_wait3A_127 : memref<128xi32, #tpu.memory_space<hbm>>) dst(%arg5 : memref<128xi32, #tpu.memory_space<vmem>>)
        %add3A_128 = arith.constant 2 : i32
        %add3A_129 = arith.addi %add3A_63, %add3A_128 : i32
        %dma_start3A_130 = arith.constant 0 : i32
        %dma_start3A_131 = arith.constant 0 : i32
        %dma_start3A_132 = tpu.memref_slice %arg3[%dma_start3A_130, %dma_start3A_131] : memref<1000000x128xf32, #tpu.memory_space<hbm>> -> memref<1000000x128xf32, #tpu.memory_space<hbm>>
        tpu.enqueue_indirect_dma source(%dma_start3A_132 : memref<1000000x128xf32, #tpu.memory_space<hbm>>) target(%arg7 : memref<128x128xf32, #tpu.memory_space<vmem>>) offsets(%arg5 : memref<128xi32, #tpu.memory_space<vmem>>) semaphore(%arg13 : memref<!tpu.dma_semaphore, #tpu.memory_space<semaphore_mem>>)
      } else {
      }
      %mul3A_80 = arith.constant 128 : i32
      %mul3A_81 = arith.muli %add3A_63, %mul3A_80 : i32
      %add3A_82 = arith.addi %mul3A_4, %mul3A_81 : i32
      %dma_start3A_83 = arith.constant 0 : i32
      %dma_start3A_84 = tpu.memref_slice %arg4[%add3A_82, %dma_start3A_83] : memref<819200x64xf32, #tpu.memory_space<hbm>> -> memref<128x64xf32, #tpu.memory_space<hbm>>
      %dma_start3A_85 = arith.constant 0 : i32
      %dma_start3A_86 = tpu.memref_slice %arg4[%add3A_82, %dma_start3A_85] : memref<819200x64xf32, #tpu.memory_space<hbm>> -> memref<128x64xf32, #tpu.memory_space<hbm>>
      tpu.enqueue_dma source(%arg9 : memref<128x64xf32, #tpu.memory_space<vmem>>) target(%dma_start3A_86 : memref<128x64xf32, #tpu.memory_space<hbm>>) target_semaphore(%arg15 : memref<!tpu.dma_semaphore, #tpu.memory_space<semaphore_mem>>)
      %mul3A_87 = arith.constant 2 : i32
      %mul3A_88 = arith.muli %scan3A_59, %mul3A_87 : i32
      %add3A_89 = arith.constant 1 : i32
      %add3A_90 = arith.addi %mul3A_88, %add3A_89 : i32
      %dma_wait3A_91 = arith.constant 0 : i32
      %dma_wait3A_92 = arith.constant 0 : i32
      %dma_wait3A_93 = tpu.memref_slice %arg3[%dma_wait3A_91, %dma_wait3A_92] : memref<1000000x128xf32, #tpu.memory_space<hbm>> -> memref<1000000x128xf32, #tpu.memory_space<hbm>>
      tpu.wait_indirect_dma semaphore(%arg14 : memref<!tpu.dma_semaphore, #tpu.memory_space<semaphore_mem>>) src(%dma_wait3A_93 : memref<1000000x128xf32, #tpu.memory_space<hbm>>) dst(%arg8 : memref<128x128xf32, #tpu.memory_space<vmem>>)
      %lt3A_94 = arith.constant 99 : i32
      %lt3A_95 = arith.cmpi slt, %scan3A_59, %lt3A_94 : i32
      %convert_element_type3A_96 = arith.extui %lt3A_95 : i1 to i32
      %cond3A_97 = arith.constant 0 : i32
      %cond3A_98 = arith.cmpi ne, %convert_element_type3A_96, %cond3A_97 : i32
      scf.if %cond3A_98 {
        %add3A_119 = arith.constant 2 : i32
        %add3A_120 = arith.addi %add3A_90, %add3A_119 : i32
        %add3A_121 = arith.addi %mul3A_2, %add3A_120 : i32
        %dma_start3A_122 = arith.constant 0 : i32
        %dma_start3A_123 = tpu.memref_slice %arg2[%add3A_121, %dma_start3A_122] : memref<6400x128xi32, #tpu.memory_space<hbm>> -> memref<1x128xi32, #tpu.memory_space<hbm>>
        %dma_start3A_124 = tpu.memref_squeeze %dma_start3A_123 : memref<1x128xi32, #tpu.memory_space<hbm>> -> memref<128xi32, #tpu.memory_space<hbm>>
        %dma_start3A_125 = arith.constant 0 : i32
        %dma_start3A_126 = tpu.memref_slice %arg2[%add3A_121, %dma_start3A_125] : memref<6400x128xi32, #tpu.memory_space<hbm>> -> memref<1x128xi32, #tpu.memory_space<hbm>>
        %dma_start3A_127 = tpu.memref_squeeze %dma_start3A_126 : memref<1x128xi32, #tpu.memory_space<hbm>> -> memref<128xi32, #tpu.memory_space<hbm>>
        tpu.enqueue_dma source(%dma_start3A_127 : memref<128xi32, #tpu.memory_space<hbm>>) target(%arg6 : memref<128xi32, #tpu.memory_space<vmem>>) target_semaphore(%arg12 : memref<!tpu.dma_semaphore, #tpu.memory_space<semaphore_mem>>)
      } else {
      }
      %gt3A_99 = arith.constant 0 : i32
      %gt3A_100 = arith.cmpi sgt, %scan3A_59, %gt3A_99 : i32
      %convert_element_type3A_101 = arith.extui %gt3A_100 : i1 to i32
      %cond3A_102 = arith.constant 0 : i32
      %cond3A_103 = arith.cmpi ne, %convert_element_type3A_101, %cond3A_102 : i32
      scf.if %cond3A_103 {
        %sub3A = arith.constant 2 : i32
        %sub3A_119 = arith.subi %add3A_90, %sub3A : i32
        %mul3A_120 = arith.constant 128 : i32
        %mul3A_121 = arith.muli %sub3A_119, %mul3A_120 : i32
        %add3A_122 = arith.addi %mul3A_4, %mul3A_121 : i32
        %dma_wait3A_123 = arith.constant 0 : i32
        %dma_wait3A_124 = tpu.memref_slice %arg4[%add3A_122, %dma_wait3A_123] : memref<819200x64xf32, #tpu.memory_space<hbm>> -> memref<128x64xf32, #tpu.memory_space<hbm>>
        %dma_wait3A_125 = arith.constant 0 : i32
        %dma_wait3A_126 = tpu.memref_slice %arg4[%add3A_122, %dma_wait3A_125] : memref<819200x64xf32, #tpu.memory_space<hbm>> -> memref<128x64xf32, #tpu.memory_space<hbm>>
        tpu.wait_dma2 semaphore(%arg16 : memref<!tpu.dma_semaphore, #tpu.memory_space<semaphore_mem>>) src(%arg10 : memref<128x64xf32, #tpu.memory_space<vmem>>) dst(%dma_wait3A_126 : memref<128x64xf32, #tpu.memory_space<hbm>>)
      } else {
      }
      %parallel_loop3A_104 = arith.constant 0 : i32
      %parallel_loop3A_105 = arith.constant 128 : i32
      %parallel_loop3A_106 = arith.constant 1 : i32
      scf.for %parallel_loop3A_119 = %parallel_loop3A_104 to %parallel_loop3A_105 step %parallel_loop3A_106  : i32 {
        %parallel_loop3A_120 = arith.index_cast %parallel_loop3A_119 : i32 to index
        %parallel_loop3A_121 = arith.constant 0 : index
        %parallel_loop3A_122 = tpu.vector_load %arg8[%parallel_loop3A_120, %parallel_loop3A_121] {strides = array<i32>} : memref<128x128xf32, #tpu.memory_space<vmem>>, vector<1x16xf32>,
        %parallel_loop3A_123 = vector.shape_cast %parallel_loop3A_122 : vector<1x16xf32> to vector<16xf32>
        %parallel_loop3A_124 = arith.mulf %parallel_loop3A_123, %broadcast_in_dim3A_5 : vector<16xf32>
        %parallel_loop3A_125 = arith.index_cast %parallel_loop3A_119 : i32 to index
        %parallel_loop3A_126 = arith.constant 0 : index
        %parallel_loop3A_127 = tpu.vector_load %arg10[%parallel_loop3A_125, %parallel_loop3A_126] {strides = array<i32>} : memref<128x64xf32, #tpu.memory_space<vmem>>, vector<1x16xf32>,
        %parallel_loop3A_128 = vector.shape_cast %parallel_loop3A_127 : vector<1x16xf32> to vector<16xf32>
        %parallel_loop3A_129 = vector.shape_cast %parallel_loop3A_124 : vector<16xf32> to vector<1x16xf32>
        tpu.vector_store %arg10[%parallel_loop3A_125, %parallel_loop3A_126], %parallel_loop3A_129 {strides = array<i32>} : memref<128x64xf32, #tpu.memory_space<vmem>>, vector<1x16xf32>,
        %parallel_loop3A_130 = arith.index_cast %parallel_loop3A_119 : i32 to index
        %parallel_loop3A_131 = arith.constant 16 : index
        %parallel_loop3A_132 = tpu.vector_load %arg8[%parallel_loop3A_130, %parallel_loop3A_131] {strides = array<i32>} : memref<128x128xf32, #tpu.memory_space<vmem>>, vector<1x16xf32>,
        %parallel_loop3A_133 = vector.shape_cast %parallel_loop3A_132 : vector<1x16xf32> to vector<16xf32>
        %parallel_loop3A_134 = arith.mulf %parallel_loop3A_133, %broadcast_in_dim3A_5 : vector<16xf32>
        %parallel_loop3A_135 = arith.index_cast %parallel_loop3A_119 : i32 to index
        %parallel_loop3A_136 = arith.constant 16 : index
        %parallel_loop3A_137 = tpu.vector_load %arg10[%parallel_loop3A_135, %parallel_loop3A_136] {strides = array<i32>} : memref<128x64xf32, #tpu.memory_space<vmem>>, vector<1x16xf32>,
        %parallel_loop3A_138 = vector.shape_cast %parallel_loop3A_137 : vector<1x16xf32> to vector<16xf32>
        %parallel_loop3A_139 = vector.shape_cast %parallel_loop3A_134 : vector<16xf32> to vector<1x16xf32>
        tpu.vector_store %arg10[%parallel_loop3A_135, %parallel_loop3A_136], %parallel_loop3A_139 {strides = array<i32>} : memref<128x64xf32, #tpu.memory_space<vmem>>, vector<1x16xf32>,
        %parallel_loop3A_140 = arith.index_cast %parallel_loop3A_119 : i32 to index
        %parallel_loop3A_141 = arith.constant 32 : index
        %parallel_loop3A_142 = tpu.vector_load %arg8[%parallel_loop3A_140, %parallel_loop3A_141] {strides = array<i32>} : memref<128x128xf32, #tpu.memory_space<vmem>>, vector<1x16xf32>,
        %parallel_loop3A_143 = vector.shape_cast %parallel_loop3A_142 : vector<1x16xf32> to vector<16xf32>
        %parallel_loop3A_144 = arith.mulf %parallel_loop3A_143, %broadcast_in_dim3A_5 : vector<16xf32>
        %parallel_loop3A_145 = arith.index_cast %parallel_loop3A_119 : i32 to index
        %parallel_loop3A_146 = arith.constant 32 : index
        %parallel_loop3A_147 = tpu.vector_load %arg10[%parallel_loop3A_145, %parallel_loop3A_146] {strides = array<i32>} : memref<128x64xf32, #tpu.memory_space<vmem>>, vector<1x16xf32>,
        %parallel_loop3A_148 = vector.shape_cast %parallel_loop3A_147 : vector<1x16xf32> to vector<16xf32>
        %parallel_loop3A_149 = vector.shape_cast %parallel_loop3A_144 : vector<16xf32> to vector<1x16xf32>
        tpu.vector_store %arg10[%parallel_loop3A_145, %parallel_loop3A_146], %parallel_loop3A_149 {strides = array<i32>} : memref<128x64xf32, #tpu.memory_space<vmem>>, vector<1x16xf32>,
        %parallel_loop3A_150 = arith.index_cast %parallel_loop3A_119 : i32 to index
        %parallel_loop3A_151 = arith.constant 48 : index
        %parallel_loop3A_152 = tpu.vector_load %arg8[%parallel_loop3A_150, %parallel_loop3A_151] {strides = array<i32>} : memref<128x128xf32, #tpu.memory_space<vmem>>, vector<1x16xf32>,
        %parallel_loop3A_153 = vector.shape_cast %parallel_loop3A_152 : vector<1x16xf32> to vector<16xf32>
        %parallel_loop3A_154 = arith.mulf %parallel_loop3A_153, %broadcast_in_dim3A_5 : vector<16xf32>
        %parallel_loop3A_155 = arith.index_cast %parallel_loop3A_119 : i32 to index
        %parallel_loop3A_156 = arith.constant 48 : index
        %parallel_loop3A_157 = tpu.vector_load %arg10[%parallel_loop3A_155, %parallel_loop3A_156] {strides = array<i32>} : memref<128x64xf32, #tpu.memory_space<vmem>>, vector<1x16xf32>,
        %parallel_loop3A_158 = vector.shape_cast %parallel_loop3A_157 : vector<1x16xf32> to vector<16xf32>
        %parallel_loop3A_159 = vector.shape_cast %parallel_loop3A_154 : vector<16xf32> to vector<1x16xf32>
        tpu.vector_store %arg10[%parallel_loop3A_155, %parallel_loop3A_156], %parallel_loop3A_159 {strides = array<i32>} : memref<128x64xf32, #tpu.memory_space<vmem>>, vector<1x16xf32>,
      } {sc.loop_unroll_factor = 8 : i64, sc.parallel_access}
      %lt3A_107 = arith.constant 99 : i32
      %lt3A_108 = arith.cmpi slt, %scan3A_59, %lt3A_107 : i32
      %convert_element_type3A_109 = arith.extui %lt3A_108 : i1 to i32
      %cond3A_110 = arith.constant 0 : i32
      %cond3A_111 = arith.cmpi ne, %convert_element_type3A_109, %cond3A_110 : i32
      scf.if %cond3A_111 {
        %add3A_119 = arith.constant 2 : i32
        %add3A_120 = arith.addi %add3A_90, %add3A_119 : i32
        %add3A_121 = arith.addi %mul3A_2, %add3A_120 : i32
        %dma_wait3A_122 = arith.constant 0 : i32
        %dma_wait3A_123 = tpu.memref_slice %arg2[%add3A_121, %dma_wait3A_122] : memref<6400x128xi32, #tpu.memory_space<hbm>> -> memref<1x128xi32, #tpu.memory_space<hbm>>
        %dma_wait3A_124 = tpu.memref_squeeze %dma_wait3A_123 : memref<1x128xi32, #tpu.memory_space<hbm>> -> memref<128xi32, #tpu.memory_space<hbm>>
        %dma_wait3A_125 = arith.constant 0 : i32
        %dma_wait3A_126 = tpu.memref_slice %arg2[%add3A_121, %dma_wait3A_125] : memref<6400x128xi32, #tpu.memory_space<hbm>> -> memref<1x128xi32, #tpu.memory_space<hbm>>
        %dma_wait3A_127 = tpu.memref_squeeze %dma_wait3A_126 : memref<1x128xi32, #tpu.memory_space<hbm>> -> memref<128xi32, #tpu.memory_space<hbm>>
        tpu.wait_dma2 semaphore(%arg12 : memref<!tpu.dma_semaphore, #tpu.memory_space<semaphore_mem>>) src(%dma_wait3A_127 : memref<128xi32, #tpu.memory_space<hbm>>) dst(%arg6 : memref<128xi32, #tpu.memory_space<vmem>>)
        %add3A_128 = arith.constant 2 : i32
        %add3A_129 = arith.addi %add3A_90, %add3A_128 : i32
        %dma_start3A_130 = arith.constant 0 : i32
        %dma_start3A_131 = arith.constant 0 : i32
        %dma_start3A_132 = tpu.memref_slice %arg3[%dma_start3A_130, %dma_start3A_131] : memref<1000000x128xf32, #tpu.memory_space<hbm>> -> memref<1000000x128xf32, #tpu.memory_space<hbm>>
        tpu.enqueue_indirect_dma source(%dma_start3A_132 : memref<1000000x128xf32, #tpu.memory_space<hbm>>) target(%arg8 : memref<128x128xf32, #tpu.memory_space<vmem>>) offsets(%arg6 : memref<128xi32, #tpu.memory_space<vmem>>) semaphore(%arg14 : memref<!tpu.dma_semaphore, #tpu.memory_space<semaphore_mem>>)
      } else {
      }
      %mul3A_112 = arith.constant 128 : i32
      %mul3A_113 = arith.muli %add3A_90, %mul3A_112 : i32
      %add3A_114 = arith.addi %mul3A_4, %mul3A_113 : i32
      %dma_start3A_115 = arith.constant 0 : i32
      %dma_start3A_116 = tpu.memref_slice %arg4[%add3A_114, %dma_start3A_115] : memref<819200x64xf32, #tpu.memory_space<hbm>> -> memref<128x64xf32, #tpu.memory_space<hbm>>
      %dma_start3A_117 = arith.constant 0 : i32
      %dma_start3A_118 = tpu.memref_slice %arg4[%add3A_114, %dma_start3A_117] : memref<819200x64xf32, #tpu.memory_space<hbm>> -> memref<128x64xf32, #tpu.memory_space<hbm>>
      tpu.enqueue_dma source(%arg10 : memref<128x64xf32, #tpu.memory_space<vmem>>) target(%dma_start3A_118 : memref<128x64xf32, #tpu.memory_space<hbm>>) target_semaphore(%arg16 : memref<!tpu.dma_semaphore, #tpu.memory_space<semaphore_mem>>)
    }
    %scan3A_46 = arith.constant 100 : i32
    %add3A_47 = arith.constant 25344 : i32
    %add3A_48 = arith.addi %mul3A_4, %add3A_47 : i32
    %dma_wait3A_49 = arith.constant 0 : i32
    %dma_wait3A_50 = tpu.memref_slice %arg4[%add3A_48, %dma_wait3A_49] : memref<819200x64xf32, #tpu.memory_space<hbm>> -> memref<128x64xf32, #tpu.memory_space<hbm>>
    %dma_wait3A_51 = arith.constant 0 : i32
    %dma_wait3A_52 = tpu.memref_slice %arg4[%add3A_48, %dma_wait3A_51] : memref<819200x64xf32, #tpu.memory_space<hbm>> -> memref<128x64xf32, #tpu.memory_space<hbm>>
    tpu.wait_dma2 semaphore(%arg15 : memref<!tpu.dma_semaphore, #tpu.memory_space<semaphore_mem>>) src(%arg9 : memref<128x64xf32, #tpu.memory_space<vmem>>) dst(%dma_wait3A_52 : memref<128x64xf32, #tpu.memory_space<hbm>>)
    %add3A_53 = arith.constant 25472 : i32
    %add3A_54 = arith.addi %mul3A_4, %add3A_53 : i32
    %dma_wait3A_55 = arith.constant 0 : i32
    %dma_wait3A_56 = tpu.memref_slice %arg4[%add3A_54, %dma_wait3A_55] : memref<819200x64xf32, #tpu.memory_space<hbm>> -> memref<128x64xf32, #tpu.memory_space<hbm>>
    %dma_wait3A_57 = arith.constant 0 : i32
    %dma_wait3A_58 = tpu.memref_slice %arg4[%add3A_54, %dma_wait3A_57] : memref<819200x64xf32, #tpu.memory_space<hbm>> -> memref<128x64xf32, #tpu.memory_space<hbm>>
    tpu.wait_dma2 semaphore(%arg16 : memref<!tpu.dma_semaphore, #tpu.memory_space<semaphore_mem>>) src(%arg10 : memref<128x64xf32, #tpu.memory_space<vmem>>) dst(%dma_wait3A_58 : memref<128x64xf32, #tpu.memory_space<hbm>>)
    return
  }
}

</mosaic_0001>

<sc_bundles>
// kernel: kernel.3.cloned.1.call-start
scs
__scs_entry_jumppad:
0x0: {  	(pc) =	sbr.rel $0x88, $3  }
0x1: {  	(tag) =	ssettag $0x0;
	lr =	simm.s32 $0x1  }
0x2: {  	[smem:$0x3F9F] =	sst lr;
	_ =	strace $0xD0000000  }
0x3: {  	_ = 	snop  }
0x4: {  	_ = 	snop  }
0x5: {  	_ = 	snop  }
0x6: {  	_ = 	snop  }
0x7: {  	_ = 	snop  }
__scs_overlays_trampoline_lowered:
0x8: {  	[smem:$0x3FAE] =	sst s0  }
0x9: {  	[smem:$0x3FAF] =	sst s1  }
0xa: {  	[smem:$0x3FB0] =	sst s2  }
0xb: {  	[smem:$0x3FB1] =	sst s3  }
0xc: {  	[smem:$0x3FB2] =	sst s4  }
0xd: {  	[smem:$0x3FB3] =	sst s5  }
0xe: {  	[smem:$0x3FB4] =	sst s6  }
0xf: {  	[smem:$0x3FB5] =	sst s7  }
0x10: {  	[smem:$0x3FB6] =	sst s8  }
0x11: {  	[smem:$0x3FB7] =	sst s9;
	s0 =	simm.s32 @!p0 $0x0  }
0x12: {  	s1 =	sld [smem:$0x3F9D];
	s0 =	simm.s32 @p0 $0x1  }
0x13: {  	[smem:$0x3FB8] =	sst s0;
	s0 =	simm.s32 @!p1 $0x0  }
0x14: {  	s2 =	sld [smem:$0x3F9C];
	s0 =	simm.s32 @p1 $0x1  }
0x15: {  	[smem:$0x3FB9] =	sst s0;
	s0 =	simm.s32 @!p2 $0x0  }
0x16: {  	s3 =	sld [smem:$0x3FDB];
	s0 =	simm.s32 @p2 $0x1  }
0x17: {  	s4 =	simm.s32 $0x1BF5;
	[smem:$0x3FBB] =	sst s0  }
0x18: {  	s0 =	sld [smem:$0x3F9E];
	_ =	swait.ge [sflag:s4], $0x0  }
0x19: {  	s7 =	sld [smem:$0x3F9F]  }
0x1a: {  	s8 =	sadd.s32 $0xFFFFE003, lr  }
0x1b: {  	s9 =	sadd.s32 $0xFFFFFEF7, lr;
	s5 =	simm.s32 $0xFFFFFFFF;
	p2 =	slt.u32 s8, $0xFFFFF086  }
0x1c: {  	p1 =	slt.u32 s9, $0xF7A;
	s5 =	simm.s32 @!p2 $0x0  }
0x1d: {  	s5 =	simm.s32 @p1 $0x1;
	p0 =	seq.s32 s7, s2  }
0x1e: {  	s7 =	smul.u32 @!p0 $0xF7A, s2;
	p2 =	seq.s32 @!p0 s5, $0x0  }
0x1f: {  	s9 =	smul.u32 $0xF7A, s1;
	s8 =	simm.s32 @!p0 $0x1BF5;
	p2 =	por !p2, p0  }
0x20: {  	[sflag:s8] =	ssyncset.s32 @!p0 $0xFFFFF086;
	s6 =	sadd.s32 @!p0 s3, s7;
	s7 =	simm.s32 @!p0 $0x108  }
0x21: {  	s3 =	sadd.s32 s3, s9;
	s6 =	sadd.s32 @!p0 $0x88, s6;
	s7 =	simm.s32 @p2 $0x1082  }
0x22: {  	[simem:s7], [sflag:s8] =	dma.local @!p0 [hbm:s6], $0xF7A  }
0x23: {  	s9 =	sor.u32 $0xD0000000, s2;
	s6 =	simm.s32 $0x108;
	_ =	swait.ge @!p0 [sflag:s8], $0x0  }
0x24: {  	s3 =	sadd.s32 $0x88, s3;
	s6 =	simm.s32 @!p1 $0x1082;
	[sflag:s4] =	ssyncset.s32 $0xFFFFF086  }
0x25: {  	[simem:s6], [sflag:s4] =	dma.local [hbm:s3], $0xF7A  }
0x26: {  	[smem:$0x3F9F] =	sst s1;
	(tag) =	ssettag s2;
	_ =	strace s9  }
0x27: {  	s1 =	sld [smem:$0x3FAF]  }
0x28: {  	s2 =	sld [smem:$0x3FB0]  }
0x29: {  	s4 =	sld [smem:$0x3FB2]  }
0x2a: {  	p0 =	seq.s32 s5, $0x0;
	s5 =	sld [smem:$0x3FB3]  }
0x2b: {  	s6 =	sld [smem:$0x3FB4]  }
0x2c: {  	s7 =	sld [smem:$0x3FB5]  }
0x2d: {  	s3 =	simm.s32 $0x108;
	s8 =	sld [smem:$0x3FB6]  }
0x2e: {  	s3 =	simm.s32 @!p0 $0x1082;
	s9 =	sld [smem:$0x3FB7]  }
0x2f: {  	lr =	sadd.s32 s0, s3;
	s0 =	sld [smem:$0x3FAE]  }
0x30: {  	s3 =	sld [smem:$0x3FB1]  }
0x31: {  	[smem:$0x3FBA] =	sst s10  }
0x32: {  	s10 =	sld [smem:$0x3FB8];
	_ =	sdelay $0x3  }
0x33: {  	p0 =	seq.s32 s10, $0x1;
	s10 =	sld [smem:$0x3FBA];
	_ =	sdelay $0x3  }
0x34: {  	[smem:$0x3FBA] =	sst s10  }
0x35: {  	s10 =	sld [smem:$0x3FB9];
	_ =	sdelay $0x3  }
0x36: {  	p1 =	seq.s32 s10, $0x1;
	s10 =	sld [smem:$0x3FBA];
	_ =	sdelay $0x3  }
0x37: {  	[smem:$0x3FBA] =	sst s10  }
0x38: {  	s10 =	sld [smem:$0x3FBB]  }
0x39: {  	_ = 	snop;
	(pc) =	sbr.ind lr, $3  }
0x3a: {  	_ = 	snop  }
0x3b: {  	_ = 	snop  }
0x3c: {  	p2 =	seq.s32 s10, $0x1;
	s10 =	sld [smem:$0x3FBA]  }
0x3d: {  	_ =	shalt  }
0x3e: {  	_ =	shalt  }
0x3f: {  	_ =	shalt  }
0x40: {  	_ =	shalt  }
0x41: {  	_ =	shalt  }
0x42: {  	_ =	shalt  }
0x43: {  	_ =	shalt  }
0x44: {  	_ =	shalt  }
0x45: {  	_ =	shalt  }
0x46: {  	_ =	shalt  }
0x47: {  	_ =	shalt  }
0x48: {  	_ =	shalt  }
0x49: {  	_ =	shalt  }
0x4a: {  	_ =	shalt  }
0x4b: {  	_ =	shalt  }
0x4c: {  	_ =	shalt  }
0x4d: {  	_ =	shalt  }
0x4e: {  	_ =	shalt  }
0x4f: {  	_ =	shalt  }
0x50: {  	_ =	shalt  }
0x51: {  	_ =	shalt  }
0x52: {  	_ =	shalt  }
0x53: {  	_ =	shalt  }
0x54: {  	_ =	shalt  }
0x55: {  	_ =	shalt  }
0x56: {  	_ =	shalt  }
0x57: {  	_ =	shalt  }
0x58: {  	_ =	shalt  }
0x59: {  	_ =	shalt  }
0x5a: {  	_ =	shalt  }
0x5b: {  	_ =	shalt  }
0x5c: {  	_ =	shalt  }
0x5d: {  	_ =	shalt  }
0x5e: {  	_ =	shalt  }
0x5f: {  	_ =	shalt  }
0x60: {  	_ =	shalt  }
0x61: {  	_ =	shalt  }
0x62: {  	_ =	shalt  }
0x63: {  	_ =	shalt  }
0x64: {  	_ =	shalt  }
0x65: {  	_ =	shalt  }
0x66: {  	_ =	shalt  }
0x67: {  	_ =	shalt  }
0x68: {  	_ =	shalt  }
0x69: {  	_ =	shalt  }
0x6a: {  	_ =	shalt  }
0x6b: {  	_ =	shalt  }
0x6c: {  	_ =	shalt  }
0x6d: {  	_ =	shalt  }
0x6e: {  	_ =	shalt  }
0x6f: {  	_ =	shalt  }
0x70: {  	_ =	shalt  }
0x71: {  	_ =	shalt  }
0x72: {  	_ =	shalt  }
0x73: {  	_ =	shalt  }
0x74: {  	_ =	shalt  }
0x75: {  	_ =	shalt  }
0x76: {  	_ =	shalt  }
0x77: {  	_ =	shalt  }
0x78: {  	_ =	shalt  }
0x79: {  	_ =	shalt  }
0x7a: {  	_ =	shalt  }
0x7b: {  	_ =	shalt  }
0x7c: {  	_ =	shalt  }
0x7d: {  	_ =	shalt  }
0x7e: {  	_ =	shalt  }
0x7f: {  	_ =	shalt  }
0x80: {  	_ =	shalt  }
0x81: {  	_ =	shalt  }
0x82: {  	_ =	shalt  }
0x83: {  	_ =	shalt  }
0x84: {  	_ =	shalt  }
0x85: {  	_ =	shalt  }
0x86: {  	_ =	shalt  }
0x87: {  	_ =	shalt  }
.Lfunc_end0:
.L_simem_size_0:
called_computation.1_lowered:
.L_overlay_start_0:
0x88: {  	s2 =	sld [smem:$0x3FD9]  }
0x89: {  	s3 =	sld [smem:$0x3FFE];
	_ =	sdelay $0x1  }
0x8a: {  	s1 =	srdreg.scid  }
0x8b: {  	s0 =	sand.u32 $0x1, s1  }
0x8c: {  	s17 =	sshll.u32 s0, $0xA;
	s2 =	sadd.s32 s3, s2  }
0x8d: {  	s2 =	sadd.s32 s2, s17  }
0x8e: {  	[smem:$0x3FC6] =	sst s2  }
0x8f: {  	_ = 	snop  }
0x90: {  	s2 =	sld [smem:$0x3FD0];
	(tm) =	ssettm $0x1  }
0x91: {  	s18 =	sld [smem:$0x3FFB];
	_ =	sdelay $0x3  }
0x92: {  	_ =	strace s18  }
0x93: {  	s3 =	sld [smem:$0x3FFC];
	_ =	sdelay $0x3  }
0x94: {  	_ =	strace s3  }
0x95: {  	s3 =	sld [smem:$0x3FFD];
	_ =	sdelay $0x3  }
0x96: {  	_ =	strace s3  }
0x97: {  	_ =	strace $0x8FFFFFFF  }
0x98: {  	s19 =	sld [smem:$0x3FDB];
	_ =	sdelay $0x1  }
0x99: {  	s4 =	simm.s32 $_scs_section_size  }
0x9a: {  	s5 =	simm.s32 $_size__tile_overlayer_lowered;
	s6 =	simm.s32 $_tile_overlayer_lowered  }
0x9b: {  	s22 =	simm.s32 $0x1BFF;
	s21 =	sshll.u32 s6, $0x1;
	s3 =	sadd.s32 s4, s19  }
0x9c: {  	s7 =	simm.s32 $0x0;
	s20 =	sshll.u32 s5, $0x1;
	s5 =	sadd.s32 s21, s3  }
0x9d: {  	[timem:s7], [sflag:s22] =	dma.local [hbm:s5], s20  }
0x9e: {  	_ =	swait.ge [sflag:s22], s20  }
0x9f: {  	s4 =	ssub.s32 $0x0, s20;
	[sflag:s22] =	ssyncset.done $0x0  }
0xa0: {  	[sflag:s22] =	ssyncadd.s32 s4;
	_ =	sdelay $0x1  }
0xa1: {  	s23 =	simm.s32 $0x1B8B  }
0xa2: {  	_ =	swait.ge [sflag:s23], $0x1  }
0xa3: {  	[sflag:s23] =	ssyncset.done $0x0  }
0xa4: {  	s25 =	simm.s32 $0x1B8E;
	s24 =	sld [smem:$0x3FFE];
	[sflag:s23] =	ssyncadd.s32 $0xFFFFFFFF  }
0xa5: {  	s26 =	simm.s32 $execute0_lowered;
	[smem:$0x3FD2] =	sst s25  }
0xa6: {  	s5 =	sshll.u32 s26, $0x1;
	_ =	strace $0x80000046;
	[dreg:$0x1] =	wrdreg $0xFFFFFFFF  }
0xa7: {  	s28 =	simm.s32 $_size_execute0_lowered;
	s3 =	sadd.s32 s3, s5;
	[dreg:$0x0] =	wrdreg $0x0  }
0xa8: {  	s5 =	sshll.u32 s28, $0x1;
	[dreg:$0x2] =	wrdreg s3  }
0xa9: {  	[dreg:$0x3] =	wrdreg s5  }
0xaa: {  	[dreg:$0x4] =	wrdreg $0xC0  }
0xab: {  	_ =	task [dreg:s7], $0x5FFFF  }
0xac: {  	[dreg:$0x1] =	wrdreg $0xFFFFFFFF  }
0xad: {  	[dreg:$0x0] =	wrdreg $0x60  }
0xae: {  	[dreg:$0x2] =	wrdreg s2  }
0xaf: {  	[dreg:$0x3] =	wrdreg s24  }
0xb0: {  	[dreg:$0x4] =	wrdreg $0x9  }
0xb1: {  	_ =	task.clear_ibuf [dreg:s7], $0x5FFFF;
	_ =	strace $0x90000046  }
0xb2: {  	s29 =	simm.s32 $0x9;
	_ =	strace $0x80000048  }
0xb3: {  	_ =	swait.ge [sflag:s29], $0x1  }
0xb4: {  	[sflag:s29] =	ssyncadd.s32 $0xFFFFFFFF  }
0xb5: {  	_ =	strace $0x90000048  }
0xb6: {  	_ =	sfence  }
0xb7: {  	s30 =	sld [smem:$0x0];
	_ =	sdelay $0x2  }
0xb8: {  	s31 =	sshll.u32 s1, $0xD;
	s1 =	sshrl.u32 s1, $0x2  }
0xb9: {  	s3 =	sand.u32 $0x4000, s31;
	s1 =	sadd.s32 s1, s30  }
0xba: {  	s0 =	sor.u32 s3, s0;
	s1 =	sshll.u32 s1, $0x11  }
0xbb: {  	s0 =	sor.u32 s1, s0  }
0xbc: {  	s0 =	sadd.s32 $0x8F2B, s0  }
0xbd: {  	[sflag:s0] =	ssyncadd.remote.s32 $0x1  }
0xbe: {  	_ =	sfence.sel $0xFFFF  }
0xbf: {  	[dreg:$0x0] =	wrdreg $0xFFFFFFFF;
	(pc) =	sbr.abs _section_cstart, $3  }
0xc0: {  	[dreg:$0x1] =	wrdreg $0xFFFFFFFF  }
0xc1: {  	_ =	task.clear_ibuf [dreg:s7], $0x2FFFF;
	_ =	strace $0x9FFFFFFF  }
0xc2: {  	(tm) =	ssettm $0x7FFFFFFF  }
0xc3: {  	_ =	shalt  }
tec
execute0_lowered:
.L_overlay_start_1:
0x0: {  	(tag) =	ssettag $0x1  }
0x1: {  	s2 =	rddreg [dreg:$0x0]  }
0x2: {  	s5 =	rddreg [dreg:$0x1]  }
0x3: {  	s0 =	rddreg [dreg:$0x2];
	s4 =	srdreg.scid  }
0x4: {  	s1 =	stileid.u32;
	s3 =	simm.s32 $0x0;
	s13 =	simm.s32 $0x80  }
0x5: {  	s14 =	simm.s32 $0x100;
	s15 =	simm.s32 $0x2;
	s16 =	simm.s32 $0x4100  }
0x6: {  	s17 =	simm.s32 $0x3;
	s18 =	simm.s32 $0x8100;
	s19 =	simm.s32 $0x4  }
0x7: {  	s20 =	simm.s32 $0xC100;
	s21 =	simm.s32 $0x5;
	s22 =	simm.s32 $0x6  }
0x8: {  	s4 =	sand.u32 $0x1, s4;
	s6 =	sshll.u32 s1, $0x1;
	[smem:$0x7FF] =	sst s3  }
0x9: {  	s23 =	simm.s32 $0x0;
	s9 =	sor.u32 s4, s6;
	_ =	strace $0x80000047  }
0xa: {  	s31 =	ssub.s32 $0x2, s4;
	s4 =	sadd.s32 $0xF42E00, s5;
	s7 =	smul.u32 $0xC80, s9  }
0xb: {  	s5 =	sadd.s32 $0xA00, s5;
	s8 =	sshrl.u32 s31, $0x1;
	s10 =	smul.u32 $0x64000, s9  }
0xc: {  	s11 =	ssub.s32 s31, s8;
	s6 =	sadd.s32 s2, s7;
	s7 =	smul.u32 $0xC8, s9  }
0xd: {  	s12 =	sadd.s32 s10, s5;
	s9 =	smul.u32 $0x320000, s9;
	s10 =	smax.u32 s11, $0x1  }
0xe: {  	s8 =	sadd.s32 $0x10, s6;
	s11 =	sadd.s32 $0x800, s12;
	s12 =	simm.s32 $0x1  }
.LBB2_1:
0xf: {  	[tilespmem:s3], [sflag:$0x1] =	stream.linear.gather [hbm4b:s6+s3], $0x80, $0x38;
	[tilespmem:$0x10100] =	vst v63  }
0x10: {  	_ =	swait.ge [sflag:s12], $0x80  }
0x11: {  	[sflag:s12] =	ssyncset.done $0x0  }
0x12: {  	[sflag:s12] =	ssyncadd.s32 $0xFFFFFF80  }
0x13: {  	[tilespmem:s14], [sflag:$0x3] =	stream.indirect.gather [hbm4b:s4+s13], $0x80, s3, s13, $0xb8;
	[tilespmem:$0x10100] =	vst v63  }
0x14: {  	_ = 	snop  }
0x15: {  	[tilespmem:s13], [sflag:$0x2] =	stream.linear.gather [hbm4b:s8+s3], $0x80, $0x38;
	[tilespmem:$0x10100] =	vst v63  }
0x16: {  	_ =	swait.ge [sflag:s15], $0x80  }
0x17: {  	[sflag:s15] =	ssyncset.done $0x0  }
0x18: {  	s24 =	simm.s32 $0x0;
	[sflag:s15] =	ssyncadd.s32 $0xFFFFFF80  }
0x19: {  	[tilespmem:s16], [sflag:$0x4] =	stream.indirect.gather [hbm4b:s4+s13], $0x80, s13, s13, $0xb8;
	[tilespmem:$0x10100] =	vst v63  }
.LBB2_2:
0x1a: {  	p0 =	seq.s32 s24, $0x63  }
0x1b: {  	s25 =	sshll.u32 s24, $0x1;
	p1 =	seq.s32 @!p0 s24, $0x0  }
0x1c: {  	s26 =	sadd.s32 @!p0 $0x2, s25;
	p1 =	por p0, !p1  }
.Ltmp0:
0x1d: {  	s28 =	sadd.s32 @!p0 s7, s26;
	s26 =	sshll.u32 @!p0 s26, $0x4;
	(pc) =	sbr.rel @!p1 .LBB2_3-.Ltmp0, $4  }
0x1e: {  	_ =	swait.ge [sflag:s17], $0x4000;
	s28 =	sshll.u32 @!p0 s28, $0x4;
	s26 =	sand.u32 @!p0 $0x60, s26  }
0x1f: {  	[sflag:s17] =	ssyncset.done $0x0;
	s28 =	sand.u32 @!p0 $0xFFFFF80, s28;
	s26 =	sadd.s32 @!p0 s2, s26  }
0x20: {  	[sflag:s17] =	ssyncadd.s32 $0xFFFFC000;
	s26 =	sadd.s32 @!p0 s28, s26;
	s28 =	simm.s32 @!p0 $0x0  }
0x21: {  	[tilespmem:s28], [sflag:$0x1] =	stream.linear.gather @!p0 [hbm4b:s26+s28], $0x80, $0x38;
	[tilespmem:$0x10100] =	vst v63  }
.Ltmp1:
0x22: {  	(pc) =	sbr.rel .LBB2_5-.Ltmp1, $4  }
0x23: {  	_ = 	snop  }
0x24: {  	_ =	swait.ge [sflag:s21], $0x4000  }
0x25: {  	[sflag:s21] =	ssyncset.done $0x0  }
0x26: {  	p1 =	por $0x0, $0x0;
	[sflag:s21] =	ssyncadd.s32 $0xFFFFC000  }
.LBB2_3:
0x27: {  	p1 =	por @!p0 $0x1, $0x1  }
.LBB2_5:
0x28: {  	s29 =	simm.s32 $0x300  }
0x29: {  	v0 =	vld [tilespmem:s29+$0x180]  }
0x2a: {  	v1 =	vld [tilespmem:s29+$0xFFFFFE80]  }
0x2b: {  	v2 =	vld [tilespmem:s29+$0xFFFFFF00]  }
0x2c: {  	v3 =	vld [tilespmem:s29+$0xFFFFFF80]  }
0x2d: {  	v4 =	vld [tilespmem:s29+$0x0]  }
0x2e: {  	v5 =	vld [tilespmem:s29+$0x80];
	v0 =	vmul.f32 $8.000000000e+00, v0  }
0x2f: {  	s26 =	simm.s32 $0x8300;
	v6 =	vld [tilespmem:s29+$0x100];
	v1 =	vmul.f32 $8.000000000e+00, v1  }
0x30: {  	v7 =	vld [tilespmem:s29+$0xFFFFFE00];
	v2 =	vmul.f32 $8.000000000e+00, v2;
	[tilespmem:s26+$0x180] =	vst v0  }
0x31: {  	[tilespmem:s26+$0xFFFFFE80] =	vst v1;
	v0 =	vmul.f32 $8.000000000e+00, v3;
	v1 =	vld [tilespmem:s29+$0x190]  }
0x32: {  	[tilespmem:s26+$0xFFFFFF00] =	vst v2;
	v2 =	vmul.f32 $8.000000000e+00, v4;
	v3 =	vld [tilespmem:s29+$0xFFFFFE90]  }
0x33: {  	v4 =	vld [tilespmem:s29+$0xFFFFFF10];
	[tilespmem:s26+$0xFFFFFF80] =	vst v0;
	v0 =	vmul.f32 $8.000000000e+00, v5  }
0x34: {  	[tilespmem:s26+$0x0] =	vst v2;
	v2 =	vmul.f32 $8.000000000e+00, v6;
	v5 =	vld [tilespmem:s29+$0xFFFFFF90]  }
0x35: {  	v6 =	vmul.f32 $8.000000000e+00, v7;
	v7 =	vld [tilespmem:s29+$0x10];
	[tilespmem:s26+$0x80] =	vst v0  }
0x36: {  	[tilespmem:s26+$0x100] =	vst v2;
	v0 =	vld [tilespmem:s29+$0x90];
	v1 =	vmul.f32 $8.000000000e+00, v1  }
0x37: {  	[tilespmem:s26+$0xFFFFFE00] =	vst v6;
	v2 =	vmul.f32 $8.000000000e+00, v3;
	v3 =	vld [tilespmem:s29+$0x110]  }
0x38: {  	v6 =	vld [tilespmem:s29+$0xFFFFFE10];
	v4 =	vmul.f32 $8.000000000e+00, v4;
	[tilespmem:s26+$0x190] =	vst v1  }
0x39: {  	[tilespmem:s26+$0xFFFFFE90] =	vst v2;
	v1 =	vmul.f32 $8.000000000e+00, v5;
	v2 =	vld [tilespmem:s29+$0x1A0]  }
0x3a: {  	[tilespmem:s26+$0xFFFFFF10] =	vst v4;
	v4 =	vmul.f32 $8.000000000e+00, v7;
	v5 =	vld [tilespmem:s29+$0xFFFFFEA0]  }
0x3b: {  	v7 =	vld [tilespmem:s29+$0xFFFFFF20];
	[tilespmem:s26+$0xFFFFFF90] =	vst v1;
	v0 =	vmul.f32 $8.000000000e+00, v0  }
0x3c: {  	[tilespmem:s26+$0x10] =	vst v4;
	v1 =	vld [tilespmem:s29+$0xFFFFFFA0];
	v3 =	vmul.f32 $8.000000000e+00, v3  }
0x3d: {  	v4 =	vmul.f32 $8.000000000e+00, v6;
	v6 =	vld [tilespmem:s29+$0x20];
	[tilespmem:s26+$0x90] =	vst v0  }
0x3e: {  	v0 =	vld [tilespmem:s29+$0xA0];
	[tilespmem:s26+$0x110] =	vst v3;
	v2 =	vmul.f32 $8.000000000e+00, v2  }
0x3f: {  	[tilespmem:s26+$0xFFFFFE10] =	vst v4;
	v3 =	vmul.f32 $8.000000000e+00, v5;
	v4 =	vld [tilespmem:s29+$0x120]  }
0x40: {  	v5 =	vld [tilespmem:s29+$0xFFFFFE20];
	v7 =	vmul.f32 $8.000000000e+00, v7;
	[tilespmem:s26+$0x1A0] =	vst v2  }
0x41: {  	[tilespmem:s26+$0xFFFFFEA0] =	vst v3;
	v1 =	vmul.f32 $8.000000000e+00, v1;
	v3 =	vld [tilespmem:s29+$0x1B0]  }
0x42: {  	[tilespmem:s26+$0xFFFFFF20] =	vst v7;
	v2 =	vmul.f32 $8.000000000e+00, v6;
	v8 =	vld [tilespmem:s29+$0xFFFFFEB0]  }
0x43: {  	v7 =	vld [tilespmem:s29+$0xFFFFFF30];
	[tilespmem:s26+$0xFFFFFFA0] =	vst v1;
	v1 =	vmul.f32 $8.000000000e+00, v0  }
0x44: {  	[tilespmem:s26+$0x20] =	vst v2;
	v0 =	vld [tilespmem:s29+$0xFFFFFFB0];
	v4 =	vmul.f32 $8.000000000e+00, v4  }
0x45: {  	v5 =	vmul.f32 $8.000000000e+00, v5;
	v2 =	vld [tilespmem:s29+$0x30];
	[tilespmem:s26+$0xA0] =	vst v1  }
0x46: {  	v1 =	vld [tilespmem:s29+$0xB0];
	[tilespmem:s26+$0x120] =	vst v4;
	v9 =	vmul.f32 $8.000000000e+00, v3  }
0x47: {  	[tilespmem:s26+$0xFFFFFE20] =	vst v5;
	v3 =	vld [tilespmem:s29+$0x130];
	v6 =	vmul.f32 $8.000000000e+00, v8  }
0x48: {  	s28 =	simm.s32 $0x0;
	v4 =	vld [tilespmem:s29+$0xFFFFFE30];
	v5 =	vmul.f32 $8.000000000e+00, v7;
	s29 =	simm.s32 $0x700;
	[tilespmem:s26+$0x1B0] =	vst v9  }
.LBB2_6:
0x49: {  	v7 =	vld [tilespmem:s29+$0x180];
	s28 =	sadd.s32 $0x8, s28;
	[tilespmem:s26+$0xFFFFFEB0] =	vst v6;
	v0 =	vmul.f32 $8.000000000e+00, v0  }
0x4a: {  	v6 =	vld [tilespmem:s29+$0xFFFFFE80];
	p2 =	slt.u32 s28, $0x78;
	[tilespmem:s26+$0xFFFFFF30] =	vst v5;
	v2 =	vmul.f32 $8.000000000e+00, v2  }
0x4b: {  	v5 =	vld [tilespmem:s29+$0xFFFFFF00];
	[tilespmem:s26+$0xFFFFFFB0] =	vst v0;
	v0 =	vmul.f32 $8.000000000e+00, v1  }
0x4c: {  	v1 =	vld [tilespmem:s29+$0xFFFFFF80];
	[tilespmem:s26+$0x30] =	vst v2;
	v2 =	vmul.f32 $8.000000000e+00, v3  }
0x4d: {  	v3 =	vld [tilespmem:s29+$0x0];
	v4 =	vmul.f32 $8.000000000e+00, v4;
	[tilespmem:s26+$0xB0] =	vst v0  }
0x4e: {  	v0 =	vld [tilespmem:s29+$0x80];
	v7 =	vmul.f32 $8.000000000e+00, v7;
	[tilespmem:s26+$0x130] =	vst v2  }
0x4f: {  	v2 =	vmul.f32 $8.000000000e+00, v6;
	v6 =	vld [tilespmem:s29+$0x100];
	[tilespmem:s26+$0xFFFFFE30] =	vst v4;
	s26 =	sadd.s32 $0x400, s26  }
0x50: {  	v4 =	vld [tilespmem:s29+$0xFFFFFE00];
	v5 =	vmul.f32 $8.000000000e+00, v5;
	[tilespmem:s26+$0x180] =	vst v7  }
0x51: {  	[tilespmem:s26+$0xFFFFFE80] =	vst v2;
	v1 =	vmul.f32 $8.000000000e+00, v1;
	v2 =	vld [tilespmem:s29+$0x190]  }
0x52: {  	v7 =	vld [tilespmem:s29+$0xFFFFFE90];
	[tilespmem:s26+$0xFFFFFF00] =	vst v5;
	v3 =	vmul.f32 $8.000000000e+00, v3  }
0x53: {  	v5 =	vld [tilespmem:s29+$0xFFFFFF10];
	[tilespmem:s26+$0xFFFFFF80] =	vst v1;
	v0 =	vmul.f32 $8.000000000e+00, v0  }
0x54: {  	v1 =	vld [tilespmem:s29+$0xFFFFFF90];
	[tilespmem:s26+$0x0] =	vst v3;
	v3 =	vmul.f32 $8.000000000e+00, v6  }
0x55: {  	v4 =	vmul.f32 $8.000000000e+00, v4;
	v6 =	vld [tilespmem:s29+$0x10];
	[tilespmem:s26+$0x80] =	vst v0  }
0x56: {  	v0 =	vld [tilespmem:s29+$0x90];
	[tilespmem:s26+$0x100] =	vst v3;
	v2 =	vmul.f32 $8.000000000e+00, v2  }
0x57: {  	[tilespmem:s26+$0xFFFFFE00] =	vst v4;
	v3 =	vmul.f32 $8.000000000e+00, v7;
	v4 =	vld [tilespmem:s29+$0x110]  }
0x58: {  	v7 =	vld [tilespmem:s29+$0xFFFFFE10];
	v5 =	vmul.f32 $8.000000000e+00, v5;
	[tilespmem:s26+$0x190] =	vst v2  }
0x59: {  	[tilespmem:s26+$0xFFFFFE90] =	vst v3;
	v1 =	vmul.f32 $8.000000000e+00, v1;
	v2 =	vld [tilespmem:s29+$0x1A0]  }
0x5a: {  	v3 =	vld [tilespmem:s29+$0xFFFFFEA0];
	[tilespmem:s26+$0xFFFFFF10] =	vst v5;
	v5 =	vmul.f32 $8.000000000e+00, v6  }
0x5b: {  	v6 =	vld [tilespmem:s29+$0xFFFFFF20];
	[tilespmem:s26+$0xFFFFFF90] =	vst v1;
	v0 =	vmul.f32 $8.000000000e+00, v0  }
0x5c: {  	v1 =	vld [tilespmem:s29+$0xFFFFFFA0];
	[tilespmem:s26+$0x10] =	vst v5;
	v4 =	vmul.f32 $8.000000000e+00, v4  }
0x5d: {  	v5 =	vmul.f32 $8.000000000e+00, v7;
	v7 =	vld [tilespmem:s29+$0x20];
	[tilespmem:s26+$0x90] =	vst v0  }
0x5e: {  	v0 =	vld [tilespmem:s29+$0xA0];
	[tilespmem:s26+$0x110] =	vst v4;
	v2 =	vmul.f32 $8.000000000e+00, v2  }
0x5f: {  	[tilespmem:s26+$0xFFFFFE10] =	vst v5;
	v3 =	vmul.f32 $8.000000000e+00, v3;
	v4 =	vld [tilespmem:s29+$0x120]  }
0x60: {  	v5 =	vld [tilespmem:s29+$0xFFFFFE20];
	v6 =	vmul.f32 $8.000000000e+00, v6;
	[tilespmem:s26+$0x1A0] =	vst v2  }
0x61: {  	[tilespmem:s26+$0xFFFFFEA0] =	vst v3;
	v1 =	vmul.f32 $8.000000000e+00, v1;
	v3 =	vld [tilespmem:s29+$0x1B0]  }
0x62: {  	v8 =	vld [tilespmem:s29+$0xFFFFFEB0];
	[tilespmem:s26+$0xFFFFFF20] =	vst v6;
	v2 =	vmul.f32 $8.000000000e+00, v7  }
0x63: {  	v7 =	vld [tilespmem:s29+$0xFFFFFF30];
	[tilespmem:s26+$0xFFFFFFA0] =	vst v1;
	v1 =	vmul.f32 $8.000000000e+00, v0  }
.Ltmp2:
0x64: {  	v0 =	vld [tilespmem:s29+$0xFFFFFFB0];
	[tilespmem:s26+$0x20] =	vst v2;
	v4 =	vmul.f32 $8.000000000e+00, v4;
	(pc) =	sbr.rel @p2 .LBB2_6-.Ltmp2, $4  }
0x65: {  	v5 =	vmul.f32 $8.000000000e+00, v5;
	v2 =	vld [tilespmem:s29+$0x30];
	[tilespmem:s26+$0xA0] =	vst v1  }
0x66: {  	v1 =	vld [tilespmem:s29+$0xB0];
	[tilespmem:s26+$0x120] =	vst v4;
	v9 =	vmul.f32 $8.000000000e+00, v3  }
0x67: {  	[tilespmem:s26+$0xFFFFFE20] =	vst v5;
	v6 =	vmul.f32 $8.000000000e+00, v8;
	v3 =	vld [tilespmem:s29+$0x130]  }
0x68: {  	v4 =	vld [tilespmem:s29+$0xFFFFFE30];
	v5 =	vmul.f32 $8.000000000e+00, v7;
	[tilespmem:s26+$0x1B0] =	vst v9;
	s29 =	sadd.s32 $0x400, s29  }
0x69: {  	[tilespmem:s26+$0xFFFFFEB0] =	vst v6;
	v0 =	vmul.f32 $8.000000000e+00, v0  }
0x6a: {  	[tilespmem:s26+$0xFFFFFF30] =	vst v5;
	v2 =	vmul.f32 $8.000000000e+00, v2  }
0x6b: {  	[tilespmem:s26+$0xFFFFFFB0] =	vst v0;
	v0 =	vmul.f32 $8.000000000e+00, v1  }
0x6c: {  	[tilespmem:s26+$0x30] =	vst v2;
	v1 =	vmul.f32 $8.000000000e+00, v3  }
0x6d: {  	v2 =	vmul.f32 $8.000000000e+00, v4;
	[tilespmem:s26+$0xB0] =	vst v0  }
0x6e: {  	[tilespmem:s26+$0x130] =	vst v1  }
0x6f: {  	[tilespmem:s26+$0xFFFFFE30] =	vst v2;
	s26 =	simm.s32 @!p0 $0x1  }
0x70: {  	_ =	swait.ge @!p0 [sflag:s26], $0x80  }
0x71: {  	s28 =	simm.s32 @!p0 $0x0;
	s29 =	simm.s32 @!p0 $0x100;
	[sflag:s26] =	ssyncset.done @!p0 $0x0  }
0x72: {  	s31 =	sshll.u32 s24, $0xF;
	[sflag:s26] =	ssyncadd.s32 @!p0 $0xFFFFFF80;
	s26 =	simm.s32 @!p0 $0x80  }
0x73: {  	[tilespmem:s29], [sflag:$0x3] =	stream.indirect.gather @!p0 [hbm4b:s4+s26], $0x80, s28, s26, $0xb8;
	[tilespmem:$0x10100] =	vst v63  }
0x74: {  	s29 =	sadd.s32 s9, s31  }
0x75: {  	s29 =	sshrl.u32 s29, $0x3  }
0x76: {  	s25 =	sadd.s32 @!p0 $0x3, s25;
	s29 =	sadd.s32 s5, s29  }
0x77: {  	[hbm4b:s29+s3] =	stream.linear.scatter [tilespmem:s18], [sflag:$0x5], $0x4000, $0x38;
	[tilespmem:$0x10100] =	vst v63  }
0x78: {  	s29 =	sadd.s32 @!p0 s7, s25;
	s25 =	sshll.u32 @!p0 s25, $0x4  }
0x79: {  	_ =	swait.ge [sflag:s19], $0x4000;
	s29 =	sshll.u32 @!p0 s29, $0x4;
	s25 =	sand.u32 @!p0 $0x70, s25  }
0x7a: {  	[sflag:s19] =	ssyncset.done $0x0;
	s29 =	sand.u32 @!p0 $0xFFFFF80, s29;
	s25 =	sadd.s32 @!p0 s2, s25  }
0x7b: {  	[sflag:s19] =	ssyncadd.s32 $0xFFFFC000;
	s25 =	sadd.s32 @!p0 s29, s25  }
0x7c: {  	[tilespmem:s26], [sflag:$0x2] =	stream.linear.gather @!p0 [hbm4b:s25+s28], $0x80, $0x38;
	[tilespmem:$0x10100] =	vst v63  }
0x7d: {  	s25 =	simm.s32 @!p1 $0x6  }
0x7e: {  	_ =	swait.ge @!p1 [sflag:s25], $0x4000  }
0x7f: {  	[sflag:s25] =	ssyncset.done @!p1 $0x0  }
0x80: {  	s28 =	simm.s32 $0x4300;
	[sflag:s25] =	ssyncadd.s32 @!p1 $0xFFFFC000  }
0x81: {  	v0 =	vld [tilespmem:s28+$0x180]  }
0x82: {  	v1 =	vld [tilespmem:s28+$0xFFFFFE80]  }
0x83: {  	v2 =	vld [tilespmem:s28+$0xFFFFFF00]  }
0x84: {  	v3 =	vld [tilespmem:s28+$0xFFFFFF80]  }
0x85: {  	v4 =	vld [tilespmem:s28+$0x0]  }
0x86: {  	v5 =	vld [tilespmem:s28+$0x80];
	v0 =	vmul.f32 $8.000000000e+00, v0  }
0x87: {  	s25 =	simm.s32 $0xC300;
	v6 =	vld [tilespmem:s28+$0x100];
	v1 =	vmul.f32 $8.000000000e+00, v1  }
0x88: {  	v7 =	vld [tilespmem:s28+$0xFFFFFE00];
	v2 =	vmul.f32 $8.000000000e+00, v2;
	[tilespmem:s25+$0x180] =	vst v0  }
0x89: {  	[tilespmem:s25+$0xFFFFFE80] =	vst v1;
	v0 =	vmul.f32 $8.000000000e+00, v3;
	v1 =	vld [tilespmem:s28+$0x190]  }
0x8a: {  	[tilespmem:s25+$0xFFFFFF00] =	vst v2;
	v2 =	vmul.f32 $8.000000000e+00, v4;
	v3 =	vld [tilespmem:s28+$0xFFFFFE90]  }
0x8b: {  	v4 =	vld [tilespmem:s28+$0xFFFFFF10];
	[tilespmem:s25+$0xFFFFFF80] =	vst v0;
	v0 =	vmul.f32 $8.000000000e+00, v5  }
0x8c: {  	[tilespmem:s25+$0x0] =	vst v2;
	v2 =	vmul.f32 $8.000000000e+00, v6;
	v5 =	vld [tilespmem:s28+$0xFFFFFF90]  }
0x8d: {  	v6 =	vmul.f32 $8.000000000e+00, v7;
	v7 =	vld [tilespmem:s28+$0x10];
	[tilespmem:s25+$0x80] =	vst v0  }
0x8e: {  	[tilespmem:s25+$0x100] =	vst v2;
	v0 =	vld [tilespmem:s28+$0x90];
	v1 =	vmul.f32 $8.000000000e+00, v1  }
0x8f: {  	[tilespmem:s25+$0xFFFFFE00] =	vst v6;
	v2 =	vmul.f32 $8.000000000e+00, v3;
	v3 =	vld [tilespmem:s28+$0x110]  }
0x90: {  	v6 =	vld [tilespmem:s28+$0xFFFFFE10];
	v4 =	vmul.f32 $8.000000000e+00, v4;
	[tilespmem:s25+$0x190] =	vst v1  }
0x91: {  	[tilespmem:s25+$0xFFFFFE90] =	vst v2;
	v1 =	vmul.f32 $8.000000000e+00, v5;
	v2 =	vld [tilespmem:s28+$0x1A0]  }
0x92: {  	[tilespmem:s25+$0xFFFFFF10] =	vst v4;
	v4 =	vmul.f32 $8.000000000e+00, v7;
	v5 =	vld [tilespmem:s28+$0xFFFFFEA0]  }
0x93: {  	v7 =	vld [tilespmem:s28+$0xFFFFFF20];
	[tilespmem:s25+$0xFFFFFF90] =	vst v1;
	v0 =	vmul.f32 $8.000000000e+00, v0  }
0x94: {  	[tilespmem:s25+$0x10] =	vst v4;
	v1 =	vld [tilespmem:s28+$0xFFFFFFA0];
	v3 =	vmul.f32 $8.000000000e+00, v3  }
0x95: {  	v4 =	vmul.f32 $8.000000000e+00, v6;
	v6 =	vld [tilespmem:s28+$0x20];
	[tilespmem:s25+$0x90] =	vst v0  }
0x96: {  	v0 =	vld [tilespmem:s28+$0xA0];
	[tilespmem:s25+$0x110] =	vst v3;
	v2 =	vmul.f32 $8.000000000e+00, v2  }
0x97: {  	[tilespmem:s25+$0xFFFFFE10] =	vst v4;
	v3 =	vmul.f32 $8.000000000e+00, v5;
	v4 =	vld [tilespmem:s28+$0x120]  }
0x98: {  	v5 =	vld [tilespmem:s28+$0xFFFFFE20];
	v7 =	vmul.f32 $8.000000000e+00, v7;
	[tilespmem:s25+$0x1A0] =	vst v2  }
0x99: {  	[tilespmem:s25+$0xFFFFFEA0] =	vst v3;
	v1 =	vmul.f32 $8.000000000e+00, v1;
	v3 =	vld [tilespmem:s28+$0x1B0]  }
0x9a: {  	[tilespmem:s25+$0xFFFFFF20] =	vst v7;
	v2 =	vmul.f32 $8.000000000e+00, v6;
	v8 =	vld [tilespmem:s28+$0xFFFFFEB0]  }
0x9b: {  	v7 =	vld [tilespmem:s28+$0xFFFFFF30];
	[tilespmem:s25+$0xFFFFFFA0] =	vst v1;
	v1 =	vmul.f32 $8.000000000e+00, v0  }
0x9c: {  	[tilespmem:s25+$0x20] =	vst v2;
	v0 =	vld [tilespmem:s28+$0xFFFFFFB0];
	v4 =	vmul.f32 $8.000000000e+00, v4  }
0x9d: {  	v5 =	vmul.f32 $8.000000000e+00, v5;
	v2 =	vld [tilespmem:s28+$0x30];
	[tilespmem:s25+$0xA0] =	vst v1  }
0x9e: {  	v1 =	vld [tilespmem:s28+$0xB0];
	[tilespmem:s25+$0x120] =	vst v4;
	v9 =	vmul.f32 $8.000000000e+00, v3  }
0x9f: {  	[tilespmem:s25+$0xFFFFFE20] =	vst v5;
	v3 =	vld [tilespmem:s28+$0x130];
	v6 =	vmul.f32 $8.000000000e+00, v8  }
0xa0: {  	s26 =	simm.s32 $0x0;
	v4 =	vld [tilespmem:s28+$0xFFFFFE30];
	v5 =	vmul.f32 $8.000000000e+00, v7;
	s28 =	simm.s32 $0x4700;
	[tilespmem:s25+$0x1B0] =	vst v9  }
.LBB2_8:
0xa1: {  	v7 =	vld [tilespmem:s28+$0x180];
	s26 =	sadd.s32 $0x8, s26;
	[tilespmem:s25+$0xFFFFFEB0] =	vst v6;
	v0 =	vmul.f32 $8.000000000e+00, v0  }
0xa2: {  	v6 =	vld [tilespmem:s28+$0xFFFFFE80];
	p1 =	slt.u32 s26, $0x78;
	[tilespmem:s25+$0xFFFFFF30] =	vst v5;
	v2 =	vmul.f32 $8.000000000e+00, v2  }
0xa3: {  	v5 =	vld [tilespmem:s28+$0xFFFFFF00];
	[tilespmem:s25+$0xFFFFFFB0] =	vst v0;
	v0 =	vmul.f32 $8.000000000e+00, v1  }
0xa4: {  	v1 =	vld [tilespmem:s28+$0xFFFFFF80];
	[tilespmem:s25+$0x30] =	vst v2;
	v2 =	vmul.f32 $8.000000000e+00, v3  }
0xa5: {  	v3 =	vld [tilespmem:s28+$0x0];
	v4 =	vmul.f32 $8.000000000e+00, v4;
	[tilespmem:s25+$0xB0] =	vst v0  }
0xa6: {  	v0 =	vld [tilespmem:s28+$0x80];
	v7 =	vmul.f32 $8.000000000e+00, v7;
	[tilespmem:s25+$0x130] =	vst v2  }
0xa7: {  	v2 =	vmul.f32 $8.000000000e+00, v6;
	v6 =	vld [tilespmem:s28+$0x100];
	[tilespmem:s25+$0xFFFFFE30] =	vst v4;
	s25 =	sadd.s32 $0x400, s25  }
0xa8: {  	v4 =	vld [tilespmem:s28+$0xFFFFFE00];
	v5 =	vmul.f32 $8.000000000e+00, v5;
	[tilespmem:s25+$0x180] =	vst v7  }
0xa9: {  	[tilespmem:s25+$0xFFFFFE80] =	vst v2;
	v1 =	vmul.f32 $8.000000000e+00, v1;
	v2 =	vld [tilespmem:s28+$0x190]  }
0xaa: {  	v7 =	vld [tilespmem:s28+$0xFFFFFE90];
	[tilespmem:s25+$0xFFFFFF00] =	vst v5;
	v3 =	vmul.f32 $8.000000000e+00, v3  }
0xab: {  	v5 =	vld [tilespmem:s28+$0xFFFFFF10];
	[tilespmem:s25+$0xFFFFFF80] =	vst v1;
	v0 =	vmul.f32 $8.000000000e+00, v0  }
0xac: {  	v1 =	vld [tilespmem:s28+$0xFFFFFF90];
	[tilespmem:s25+$0x0] =	vst v3;
	v3 =	vmul.f32 $8.000000000e+00, v6  }
0xad: {  	v4 =	vmul.f32 $8.000000000e+00, v4;
	v6 =	vld [tilespmem:s28+$0x10];
	[tilespmem:s25+$0x80] =	vst v0  }
0xae: {  	v0 =	vld [tilespmem:s28+$0x90];
	[tilespmem:s25+$0x100] =	vst v3;
	v2 =	vmul.f32 $8.000000000e+00, v2  }
0xaf: {  	[tilespmem:s25+$0xFFFFFE00] =	vst v4;
	v3 =	vmul.f32 $8.000000000e+00, v7;
	v4 =	vld [tilespmem:s28+$0x110]  }
0xb0: {  	v7 =	vld [tilespmem:s28+$0xFFFFFE10];
	v5 =	vmul.f32 $8.000000000e+00, v5;
	[tilespmem:s25+$0x190] =	vst v2  }
0xb1: {  	[tilespmem:s25+$0xFFFFFE90] =	vst v3;
	v1 =	vmul.f32 $8.000000000e+00, v1;
	v2 =	vld [tilespmem:s28+$0x1A0]  }
0xb2: {  	v3 =	vld [tilespmem:s28+$0xFFFFFEA0];
	[tilespmem:s25+$0xFFFFFF10] =	vst v5;
	v5 =	vmul.f32 $8.000000000e+00, v6  }
0xb3: {  	v6 =	vld [tilespmem:s28+$0xFFFFFF20];
	[tilespmem:s25+$0xFFFFFF90] =	vst v1;
	v0 =	vmul.f32 $8.000000000e+00, v0  }
0xb4: {  	v1 =	vld [tilespmem:s28+$0xFFFFFFA0];
	[tilespmem:s25+$0x10] =	vst v5;
	v4 =	vmul.f32 $8.000000000e+00, v4  }
0xb5: {  	v5 =	vmul.f32 $8.000000000e+00, v7;
	v7 =	vld [tilespmem:s28+$0x20];
	[tilespmem:s25+$0x90] =	vst v0  }
0xb6: {  	v0 =	vld [tilespmem:s28+$0xA0];
	[tilespmem:s25+$0x110] =	vst v4;
	v2 =	vmul.f32 $8.000000000e+00, v2  }
0xb7: {  	[tilespmem:s25+$0xFFFFFE10] =	vst v5;
	v3 =	vmul.f32 $8.000000000e+00, v3;
	v4 =	vld [tilespmem:s28+$0x120]  }
0xb8: {  	v5 =	vld [tilespmem:s28+$0xFFFFFE20];
	v6 =	vmul.f32 $8.000000000e+00, v6;
	[tilespmem:s25+$0x1A0] =	vst v2  }
0xb9: {  	[tilespmem:s25+$0xFFFFFEA0] =	vst v3;
	v1 =	vmul.f32 $8.000000000e+00, v1;
	v3 =	vld [tilespmem:s28+$0x1B0]  }
0xba: {  	v8 =	vld [tilespmem:s28+$0xFFFFFEB0];
	[tilespmem:s25+$0xFFFFFF20] =	vst v6;
	v2 =	vmul.f32 $8.000000000e+00, v7  }
0xbb: {  	v7 =	vld [tilespmem:s28+$0xFFFFFF30];
	[tilespmem:s25+$0xFFFFFFA0] =	vst v1;
	v1 =	vmul.f32 $8.000000000e+00, v0  }
.Ltmp3:
0xbc: {  	v0 =	vld [tilespmem:s28+$0xFFFFFFB0];
	[tilespmem:s25+$0x20] =	vst v2;
	v4 =	vmul.f32 $8.000000000e+00, v4;
	(pc) =	sbr.rel @p1 .LBB2_8-.Ltmp3, $4  }
0xbd: {  	v5 =	vmul.f32 $8.000000000e+00, v5;
	v2 =	vld [tilespmem:s28+$0x30];
	[tilespmem:s25+$0xA0] =	vst v1  }
0xbe: {  	v1 =	vld [tilespmem:s28+$0xB0];
	[tilespmem:s25+$0x120] =	vst v4;
	v9 =	vmul.f32 $8.000000000e+00, v3  }
0xbf: {  	[tilespmem:s25+$0xFFFFFE20] =	vst v5;
	v6 =	vmul.f32 $8.000000000e+00, v8;
	v3 =	vld [tilespmem:s28+$0x130]  }
0xc0: {  	v4 =	vld [tilespmem:s28+$0xFFFFFE30];
	v5 =	vmul.f32 $8.000000000e+00, v7;
	[tilespmem:s25+$0x1B0] =	vst v9;
	s28 =	sadd.s32 $0x400, s28  }
0xc1: {  	[tilespmem:s25+$0xFFFFFEB0] =	vst v6;
	v0 =	vmul.f32 $8.000000000e+00, v0  }
0xc2: {  	[tilespmem:s25+$0xFFFFFF30] =	vst v5;
	v2 =	vmul.f32 $8.000000000e+00, v2  }
0xc3: {  	[tilespmem:s25+$0xFFFFFFB0] =	vst v0;
	v61 =	vmul.f32 $8.000000000e+00, v1  }
0xc4: {  	[tilespmem:s25+$0x30] =	vst v2;
	v62 =	vmul.f32 $8.000000000e+00, v3  }
0xc5: {  	v63 =	vmul.f32 $8.000000000e+00, v4;
	[tilespmem:s25+$0xB0] =	vst v61  }
0xc6: {  	[tilespmem:s25+$0x130] =	vst v62  }
0xc7: {  	[tilespmem:s25+$0xFFFFFE30] =	vst v63;
	s25 =	simm.s32 @!p0 $0x2  }
0xc8: {  	_ =	swait.ge @!p0 [sflag:s25], $0x80  }
0xc9: {  	s26 =	simm.s32 @!p0 $0x4100;
	s31 =	sshll.u32 s24, $0xC;
	[sflag:s25] =	ssyncset.done @!p0 $0x0  }
0xca: {  	s24 =	sadd.s32 $0x1, s24;
	[sflag:s25] =	ssyncadd.s32 @!p0 $0xFFFFFF80;
	s25 =	simm.s32 @!p0 $0x80  }
0xcb: {  	[tilespmem:s26], [sflag:$0x4] =	stream.indirect.gather @!p0 [hbm4b:s4+s25], $0x80, s25, s25, $0xb8;
	[tilespmem:$0x10100] =	vst v63  }
0xcc: {  	p0 =	sne.s32 s24, $0x64  }
.Ltmp4:
0xcd: {  	_ = 	snop;
	(pc) =	sbr.rel @p0 .LBB2_2-.Ltmp4, $3  }
0xce: {  	_ =	sdelay $0x1  }
0xcf: {  	s25 =	sadd.s32 s11, s31  }
0xd0: {  	[hbm4b:s25+s3] =	stream.linear.scatter [tilespmem:s20], [sflag:$0x6], $0x4000, $0x38;
	[tilespmem:$0x10100] =	vst v63  }
0xd1: {  	s23 =	sadd.s32 $0x1, s23  }
0xd2: {  	_ =	swait.ge [sflag:s21], $0x4000;
	p0 =	sne.s32 s23, s10  }
.Ltmp5:
0xd3: {  	[sflag:s21] =	ssyncset.done $0x0;
	(pc) =	sbr.rel @p0 .LBB2_1-.Ltmp5, $4  }
0xd4: {  	[sflag:s21] =	ssyncadd.s32 $0xFFFFC000  }
0xd5: {  	_ =	swait.ge [sflag:s22], $0x4000  }
0xd6: {  	[sflag:s22] =	ssyncset.done $0x0  }
0xd7: {  	[sflag:s22] =	ssyncadd.s32 $0xFFFFC000  }
0xd8: {  	_ =	sfence.sel $0x180000  }
0xd9: {  	[bflag:$0x0] =	sbarrier.arrive $0xFFFF  }
0xda: {  	p0 =	sne.s32 s1, $0x0;
	_ =	strace $0x90000047  }
0xdb: {  	s0 =	sadd.s32 @!p0 $0x100000, s0;
	[bflag:$0x2] =	sbarrier.arrive $0xFFFF  }
0xdc: {  	[sflag:s0] =	ssyncadd.tile.s32 @!p0 $0x1;
	_ =	shalt  }
.Lfunc_end2:
_tile_overlayer_lowered:
.L_overlay_start_2:
0xdd: {  	(tag) =	ssettag $0x2  }
0xde: {  	s0 =	rddreg [dreg:$0x0];
	s2 =	stileid.u32  }
0xdf: {  	s1 =	rddreg [dreg:$0x1];
	p0 =	sne.s32 s2, $0x0  }
0xe0: {  	s3 =	rddreg [dreg:$0x2];
	[bflag:$0x3] =	sbarrier.arrive $0xFFFF;
	s2 =	simm.s32 @!p0 $0x1C07  }
0xe1: {  	[timem:s3], [sflag:s2] =	dma.local @!p0 [hbm:s0], s1  }
0xe2: {  	s0 =	simm.s32 @!p0 $0x7  }
0xe3: {  	_ =	swait.ge @!p0 [sflag:s0], s1  }
0xe4: {  	s1 =	ssub.s32 @!p0 $0x0, s1;
	[sflag:s0] =	ssyncset.done @!p0 $0x0  }
0xe5: {  	[sflag:s0] =	ssyncadd.s32 @!p0 s1  }
0xe6: {  	[bflag:$0x3] =	sbarrier.arrive $0xFFFF  }
0xe7: {  	_ =	shalt  }

// kernel: sparse-core-data-format-call.cloned.1.call-start
scs
called_computation_lowered:
.L_overlay_start_0:
0x0: {  	s2 =	sld [smem:$0x3FD9]  }
0x1: {  	s3 =	sld [smem:$0x3FFE];
	_ =	sdelay $0x1  }
0x2: {  	s1 =	srdreg.scid  }
0x3: {  	s0 =	sand.u32 $0x1, s1  }
0x4: {  	s18 =	sshll.u32 s0, $0xA;
	s2 =	sadd.s32 s3, s2  }
0x5: {  	s2 =	sadd.s32 s2, s18  }
0x6: {  	[smem:$0x3FC6] =	sst s2  }
0x7: {  	_ = 	snop  }
0x8: {  	s2 =	sld [smem:$0x3FD0];
	(tm) =	ssettm $0x1  }
0x9: {  	s19 =	sld [smem:$0x3FFB];
	_ =	sdelay $0x3  }
0xa: {  	_ =	strace s19  }
0xb: {  	s3 =	sld [smem:$0x3FFC];
	_ =	sdelay $0x3  }
0xc: {  	_ =	strace s3  }
0xd: {  	s3 =	sld [smem:$0x3FFD];
	_ =	sdelay $0x3  }
0xe: {  	_ =	strace s3  }
0xf: {  	_ =	strace $0x8FFFFFFF  }
0x10: {  	s20 =	sld [smem:$0x3FDB];
	_ =	sdelay $0x1  }
0x11: {  	s4 =	simm.s32 $_scs_section_size  }
0x12: {  	s5 =	simm.s32 $_size__tile_overlayer_lowered;
	s6 =	simm.s32 $_tile_overlayer_lowered  }
0x13: {  	s23 =	simm.s32 $0x1BFF;
	s22 =	sshll.u32 s6, $0x1;
	s3 =	sadd.s32 s4, s20  }
0x14: {  	s7 =	simm.s32 $0x0;
	s21 =	sshll.u32 s5, $0x1;
	s5 =	sadd.s32 s22, s3  }
0x15: {  	[timem:s7], [sflag:s23] =	dma.local [hbm:s5], s21  }
0x16: {  	_ =	swait.ge [sflag:s23], s21  }
0x17: {  	s4 =	ssub.s32 $0x0, s21;
	[sflag:s23] =	ssyncset.done $0x0  }
0x18: {  	[sflag:s23] =	ssyncadd.s32 s4;
	_ =	sdelay $0x1  }
0x19: {  	s24 =	simm.s32 $0x1B8B  }
0x1a: {  	_ =	swait.ge [sflag:s24], $0x1  }
0x1b: {  	[sflag:s24] =	ssyncset.done $0x0  }
0x1c: {  	s26 =	simm.s32 $0x1B8E;
	s25 =	sld [smem:$0x3FFE];
	[sflag:s24] =	ssyncadd.s32 $0xFFFFFFFF  }
0x1d: {  	s27 =	simm.s32 $execute0_lowered;
	[smem:$0x3FD2] =	sst s26  }
0x1e: {  	s5 =	sshll.u32 s27, $0x1;
	_ =	strace $0x80000049;
	[dreg:$0x1] =	wrdreg $0xFFFFFFFF  }
0x1f: {  	s28 =	simm.s32 $_size_execute0_lowered;
	s3 =	sadd.s32 s3, s5;
	[dreg:$0x0] =	wrdreg $0x0  }
0x20: {  	s5 =	sshll.u32 s28, $0x1;
	[dreg:$0x2] =	wrdreg s3  }
0x21: {  	[dreg:$0x3] =	wrdreg s5  }
0x22: {  	[dreg:$0x4] =	wrdreg $0xC0  }
0x23: {  	_ =	task [dreg:s7], $0x5FFFF  }
0x24: {  	[dreg:$0x1] =	wrdreg $0xFFFFFFFF  }
0x25: {  	[dreg:$0x0] =	wrdreg $0x60  }
0x26: {  	[dreg:$0x2] =	wrdreg s25  }
0x27: {  	[dreg:$0x3] =	wrdreg s2  }
0x28: {  	[dreg:$0x4] =	wrdreg $0x9  }
0x29: {  	_ =	task.clear_ibuf [dreg:s7], $0x5FFFF;
	_ =	strace $0x90000049  }
0x2a: {  	s29 =	simm.s32 $0x9;
	_ =	strace $0x8000004B  }
0x2b: {  	_ =	swait.ge [sflag:s29], $0x1  }
0x2c: {  	[sflag:s29] =	ssyncadd.s32 $0xFFFFFFFF  }
0x2d: {  	_ =	strace $0x9000004B  }
0x2e: {  	_ =	sfence  }
0x2f: {  	s30 =	sld [smem:$0x0];
	_ =	sdelay $0x2  }
0x30: {  	s31 =	sshll.u32 s1, $0xD;
	s1 =	sshrl.u32 s1, $0x2  }
0x31: {  	s3 =	sand.u32 $0x4000, s31;
	s1 =	sadd.s32 s1, s30  }
0x32: {  	s0 =	sor.u32 s3, s0;
	s1 =	sshll.u32 s1, $0x11  }
0x33: {  	s0 =	sor.u32 s1, s0  }
0x34: {  	s0 =	sadd.s32 $0x8F2B, s0  }
0x35: {  	[sflag:s0] =	ssyncadd.remote.s32 $0x1  }
0x36: {  	_ =	sfence.sel $0xFFFF  }
0x37: {  	[dreg:$0x0] =	wrdreg $0xFFFFFFFF;
	(pc) =	sbr.abs _section_cstart, $3  }
0x38: {  	[dreg:$0x1] =	wrdreg $0xFFFFFFFF  }
0x39: {  	_ =	task.clear_ibuf [dreg:s7], $0x2FFFF;
	_ =	strace $0x9FFFFFFF  }
0x3a: {  	(tm) =	ssettm $0x7FFFFFFF  }
0x3b: {  	_ =	shalt  }
tec
execute0_lowered:
.L_overlay_start_1:
0x0: {  	(tag) =	ssettag $0x1  }
0x1: {  	s0 =	srdreg.scid  }
0x2: {  	s1 =	sshll.u32 s0, $0x4  }
0x3: {  	s0 =	stileid.u32;
	s1 =	sand.u32 $0x10, s1  }
0x4: {  	s1 =	sor.u32 s0, s1  }
0x5: {  	s6 =	rddreg [dreg:$0x0];
	s4 =	simm.s32 $0x1;
	s2 =	sshll.u32 s1, $0x7  }
0x6: {  	s7 =	simm.s32 $0x2;
	s12 =	simm.s32 $0x0;
	s1 =	ssub.s32 $0x1000, s2  }
0x7: {  	s8 =	simm.s32 $0x8000;
	s13 =	simm.s32 $0x0;
	s3 =	sand.u32 $0xF80, s1  }
0x8: {  	s9 =	simm.s32 $0x0;
	s5 =	sshrl.u32 s1, $0xC;
	p0 =	sne.s32 s3, $0x0  }
.Ltmp0:
0x9: {  	s1 =	rddreg [dreg:$0x2];
	s4 =	simm.s32 @!p0 $0x0;
	(pc) =	sbr.rel .LBB1_1-.Ltmp0, $4  }
0xa: {  	s11 =	simm.s32 $0x0;
	s3 =	rddreg [dreg:$0x1];
	s5 =	sadd.s32 s4, s5  }
0xb: {  	_ =	strace $0x8000004A;
	s4 =	simm.s32 $0x1;
	s5 =	smul.u32 $0xC8, s5  }
0xc: {  	s6 =	sadd.s32 $0xA00, s6;
	s10 =	smov.u32 s2;
	[sflag:s4] =	ssyncpa.u1 $0x0  }
0xd: {  	p0 =	por $0x0, $0x0;
	[sflag:s7] =	ssyncpa.u1 $0x0;
	s7 =	sor.u32 $0x1, s5  }
.LBB1_4:
0xe: {  	s16 =	sshll.u32 s13, $0x3;
	s17 =	sand.u32 $0x78, s13  }
0xf: {  	s30 =	sand.u32 $0x7E00, s13;
	s12 =	sshll.u32 s12, $0xF;
	s16 =	sand.u32 $0xC00, s16  }
0x10: {  	[tilespmem:s15+$0x810 ss:$0x81] =	vst.msk $0xffff, v2;
	s31 =	sand.u32 $0x7, s13;
	s16 =	sor.u32 s17, s16;
	s17 =	sadd.s32 s3, s30  }
0x11: {  	[tilespmem:s15+$0x1020 ss:$0x81] =	vst.msk $0xffff, v0;
	s13 =	sshll.u32 s31, $0x12;
	s12 =	sadd.s32 s12, s17;
	s16 =	sshrl.u32 s16, $0x3  }
0x12: {  	[tilespmem:s15+$0x0 ss:$0x81] =	vst.msk $0xffff, v1;
	s13 =	sor.u32 $0x400, s13;
	s12 =	sadd.s32 s16, s12  }
0x13: {  	[hbm4b:s12+s13] =	stream.strided.scatter [tilespmem:s14], [sflag:$0x2], $0x2000, s8, s13, $0x20;
	[tilespmem:$0x8080] =	vst v63  }
.LBB1_5:
0x14: {  	s14 =	sadd.s32 $0x1, s9  }
0x15: {  	s12 =	sadd.s32 $0x1000, s10;
	s16 =	smov.u32 s10;
	p2 =	sgt.s32 s14, $0xC7  }
0x16: {  	s16 =	smov.u32 @p2 s12  }
0x17: {  	s14 =	simm.s32 @p2 $0x0;
	p2 =	sgt.s32 s16, $0xFFF  }
0x18: {  	s16 =	smov.u32 @p2 s2;
	p2 =	sne.s32 s11, s7  }
.Ltmp1:
0x19: {  	p1 =	slt.u32 s11, $0x2;
	(pc) =	sbr.rel @!p2 .LBB1_6-.Ltmp1, $4  }
0x1a: {  	s15 =	simm.s32 @!p1 $0x2  }
0x1b: {  	s13 =	smov.u32 s10;
	p0 =	por !p0, !p0;
	_ =	swait.ge @!p1 [sflag:s15], $0x2000  }
0x1c: {  	s12 =	smov.u32 s9;
	[sflag:s15] =	ssyncset.done @!p1 $0x0;
	s9 =	smov.u32 s14  }
0x1d: {  	s11 =	sadd.s32 $0x1, s11;
	[sflag:s15] =	ssyncadd.s32 @!p1 $0xFFFFE000;
	s10 =	smov.u32 s16  }
.LBB1_1:
0x1e: {  	p1 =	sge.u32 s11, s5  }
0x1f: {  	s14 =	sand.u32 @!p1 $0x1FFFFFF, s9  }
0x20: {  	s15 =	smulhi.u32 @!p1 $0x147AE15, s14;
	_ =	sdelay $0x1  }
0x21: {  	s15 =	smul.u32 @!p1 $0xC8, s15  }
0x22: {  	s16 =	sxor.u32 @!p1 $0xFFFFFFFF, s11;
	s17 =	smul.u32 @!p1 $0xC80, s10  }
0x23: {  	s31 =	sadd.s32 $0xFFFFFFFF, s11;
	s16 =	sshll.u32 @!p1 s16, $0xD;
	s14 =	ssub.s32 @!p1 s14, s15  }
0x24: {  	s15 =	sand.u32 @!p1 $0x2000, s16;
	s16 =	sadd.s32 @!p1 s6, s17;
	s14 =	sshll.u32 @!p1 s14, $0x4  }
0x25: {  	s17 =	simm.s32 @!p1 $0x6400;
	s14 =	sadd.s32 @!p1 s14, s16;
	s16 =	simm.s32 @!p1 $0x40  }
0x26: {  	[tilespmem:s15], [sflag:$0x1] =	stream.strided.gather @!p1 [hbm4b:s14+s16], $0x2000, s17, s16, $0x38;
	[tilespmem:$0x8080] =	vst v63  }
0x27: {  	p1 =	sge.u32 s31, s5  }
.Ltmp2:
0x28: {  	_ = 	snop;
	(pc) =	sbr.rel @p1 .LBB1_5-.Ltmp2, $1  }
0x29: {  	_ =	sdelay $0x3  }
0x2a: {  	s14 =	simm.s32 $0x1  }
0x2b: {  	_ =	swait.ge [sflag:s4], $0x2000;
	s14 =	simm.s32 @!p0 $0x0  }
0x2c: {  	[sflag:s4] =	ssyncset.done $0x0;
	s15 =	sshll.u32 s14, $0xD  }
0x2d: {  	[sflag:s4] =	ssyncadd.s32 $0xFFFFE000;
	s18 =	sor.u32 $0x20, s15  }
0x2e: {  	s14 =	smul.u32 $0x8100, s14;
	v3 =	vld [tilespmem:s18+$0x10]  }
0x2f: {  	s30 =	sand.u32 $0x1, s11;
	v2 =	vld [tilespmem:s18+$0xFFFFFFF0]  }
0x30: {  	s15 =	smul.u32 $0x8100, s30;
	s14 =	sshrl.u32 s14, $0x2;
	v0 =	vld [tilespmem:s18+$0x0]  }
0x31: {  	v1 =	vld [tilespmem:s18+$0xFFFFFFE0];
	s16 =	sor.u32 $0x4000, s14  }
0x32: {  	s31 =	sshrl.u32 s15, $0x2;
	s15 =	sadd.s32 $0x0, s16  }
0x33: {  	s17 =	simm.s32 $0x4;
	s18 =	sadd.s32 $0x40, s18;
	s14 =	sor.u32 $0x4000, s31;
	[tilespmem:s15+$0x1830 ss:$0x81] =	vst.msk $0xffff, v3  }
.LBB1_3:
0x34: {  	v3 =	vld [tilespmem:s18+$0x10];
	p1 =	sne.s32 s17, $0x1FC;
	[tilespmem:s15+$0x810 ss:$0x81] =	vst.msk $0xffff, v2;
	s19 =	smov.u32 s17;
	s17 =	sadd.s32 $0x4, s17  }
.Ltmp3:
0x35: {  	v2 =	vld [tilespmem:s18+$0xFFFFFFF0];
	[tilespmem:s15+$0x1020 ss:$0x81] =	vst.msk $0xffff, v0;
	(pc) =	sbr.rel @p1 .LBB1_3-.Ltmp3, $4  }
0x36: {  	v0 =	vld [tilespmem:s18+$0x0];
	[tilespmem:s15+$0x0 ss:$0x81] =	vst.msk $0xffff, v1  }
0x37: {  	s15 =	sshra.s32 s19, $0x2;
	v1 =	vld [tilespmem:s18+$0xFFFFFFE0]  }
0x38: {  	s15 =	sadd.s32 s15, s16  }
0x39: {  	s18 =	sadd.s32 $0x40, s18;
	[tilespmem:s15+$0x1830 ss:$0x81] =	vst.msk $0xffff, v3  }
.Ltmp4:
0x3a: {  	_ = 	snop;
	(pc) =	sbr.rel .LBB1_4-.Ltmp4, $1  }
0x3b: {  	_ =	sdelay $0x3  }
.LBB1_6:
0x3c: {  	_ =	sfence.sel $0x180000  }
0x3d: {  	s2 =	simm.s32 $0x1;
	[bflag:$0x0] =	sbarrier.arrive $0xFFFF  }
0x3e: {  	s31 =	simm.s32 $0x2;
	[sflag:s2] =	ssyncpa.u1 $0x1  }
0x3f: {  	[sflag:s31] =	ssyncpa.u1 $0x1  }
0x40: {  	p0 =	sne.s32 s0, $0x0;
	_ =	strace $0x9000004A  }
0x41: {  	s0 =	sadd.s32 @!p0 $0x100000, s1;
	[bflag:$0x2] =	sbarrier.arrive $0xFFFF  }
0x42: {  	[sflag:s0] =	ssyncadd.tile.s32 @!p0 $0x1;
	_ =	shalt  }
.Lfunc_end1:
_tile_overlayer_lowered:
.L_overlay_start_2:
0x43: {  	(tag) =	ssettag $0x2  }
0x44: {  	s0 =	rddreg [dreg:$0x0];
	s2 =	stileid.u32  }
0x45: {  	s1 =	rddreg [dreg:$0x1];
	p0 =	sne.s32 s2, $0x0  }
0x46: {  	s3 =	rddreg [dreg:$0x2];
	[bflag:$0x3] =	sbarrier.arrive $0xFFFF;
	s2 =	simm.s32 @!p0 $0x1C01  }
0x47: {  	[timem:s3], [sflag:s2] =	dma.local @!p0 [hbm:s0], s1  }
0x48: {  	s0 =	simm.s32 @!p0 $0x1  }
0x49: {  	_ =	swait.ge @!p0 [sflag:s0], s1  }
0x4a: {  	s1 =	ssub.s32 @!p0 $0x0, s1;
	[sflag:s0] =	ssyncset.done @!p0 $0x0  }
0x4b: {  	[sflag:s0] =	ssyncadd.s32 @!p0 s1  }
0x4c: {  	[bflag:$0x3] =	sbarrier.arrive $0xFFFF  }
0x4d: {  	_ =	shalt  }

</sc_bundles>
